<compile_context>
chip_gen: v7x
topology: tpu7x:2x2x1
jax: 0.10.2.dev20260603
libtpu: 0.0.44.dev20260713+nightly
codegen_flags: <defaults>
</compile_context>

<pallas_src>
import functools

import jax
import jax.numpy as jnp
from jax import lax
from jax.experimental import pallas as pl
from jax.experimental.pallas import tpu as pltpu
from jax.experimental.pallas import tpu_sc as plsc

_NC = 2
_NS = 16
_NW = _NC * _NS
_LANES = 16
_UNROLL = 8
_CHUNK = 16384


def _sc_stable_zero_div(n, chunk):
    per_w = n // _NW
    n_chunks = per_w // chunk
    n_pairs = n_chunks // 2
    mesh = plsc.VectorSubcoreMesh(core_axis_name="c", subcore_axis_name="s")

    @functools.partial(
        pl.kernel,
        mesh=mesh,
        out_type=jax.ShapeDtypeStruct((n,), jnp.float32),
        scratch_types=[
            pltpu.VMEM((chunk,), jnp.float32),
            pltpu.VMEM((chunk,), jnp.float32),
            pltpu.VMEM((chunk,), jnp.float32),
            pltpu.VMEM((chunk,), jnp.float32),
            pltpu.VMEM((chunk,), jnp.float32),
            pltpu.VMEM((chunk,), jnp.float32),
            pltpu.SemaphoreType.DMA,
            pltpu.SemaphoreType.DMA,
            pltpu.SemaphoreType.DMA,
            pltpu.SemaphoreType.DMA,
            pltpu.SemaphoreType.DMA,
            pltpu.SemaphoreType.DMA,
        ],
    )
    def k(x_hbm, y_hbm, o_hbm,
          xv0, xv1, yv0, yv1, ov0, ov1,
          sx0, sx1, sy0, sy1, so0, so1):
        wid = lax.axis_index("s") * _NC + lax.axis_index("c")
        base = wid * per_w
        xvs, yvs, ovs = (xv0, xv1), (yv0, yv1), (ov0, ov1)
        sxs, sys_, sos = (sx0, sx1), (sy0, sy1), (so0, so1)

        def load(i, s):
            off = base + i * chunk
            pltpu.make_async_copy(
                x_hbm.at[pl.ds(off, chunk)], xvs[s], sxs[s]).start()
            pltpu.make_async_copy(
                y_hbm.at[pl.ds(off, chunk)], yvs[s], sys_[s]).start()

        def wait_load(s):
            pltpu.make_async_copy(
                x_hbm.at[pl.ds(0, chunk)], xvs[s], sxs[s]).wait()
            pltpu.make_async_copy(
                y_hbm.at[pl.ds(0, chunk)], yvs[s], sys_[s]).wait()

        def store(i, s):
            off = base + i * chunk
            pltpu.make_async_copy(
                ovs[s], o_hbm.at[pl.ds(off, chunk)], sos[s]).start()

        def wait_store(s):
            pltpu.make_async_copy(
                ovs[s], o_hbm.at[pl.ds(0, chunk)], sos[s]).wait()

        def compute(s):
            xv, yv, ov = xvs[s], yvs[s], ovs[s]

            def body(j, c):
                for u in range(_UNROLL):
                    sl = pl.ds((j * _UNROLL + u) * _LANES, _LANES)
                    yy = yv[sl]
                    inv = 1.0 / jnp.where(yy == 0.0, jnp.inf, yy)
                    ov[sl] = inv * xv[sl]
                return c

            lax.fori_loop(0, chunk // (_LANES * _UNROLL), body, 0)

        load(0, 0)
        load(1, 1)

        def pair_body(t, c):
            for s in range(2):
                i = 2 * t + s
                wait_load(s)
                pl.when(t > 0)(lambda s=s: wait_store(s))
                compute(s)
                store(i, s)
                pl.when(t < n_pairs - 1)(lambda i=i, s=s: load(i + 2, s))
            return c

        lax.fori_loop(0, n_pairs, pair_body, 0)
        wait_store(0)
        wait_store(1)

    return k


def kernel(x, y):
    n = x.shape[0]
    return _sc_stable_zero_div(n, _CHUNK)(x, y)

# --- scband reference (transcript-rebuilt; emitter-appended) ---
"""Pipeline reference for scband-stable-zero-div-16561393894029 (READ-ONLY COPY).

The authoritative reference and input builder live on the scoring server;
editing this copy changes nothing except your own understanding.
"""

import jax, jax.numpy as jnp
import numpy as np


def setup_inputs(seed: int = 0) -> dict:
    key = jax.random.key(seed)
    k1, k2 = jax.random.split(key)
    N = 16777216
    x = jax.random.normal(k1, (N,), dtype=jnp.float32)
    y = jax.random.normal(k2, (N,), dtype=jnp.float32)
    return {"x": x, "y": y}


def reference(x, y):
    # Faithful translation of StableZeroDiv.forward:
    #   out = zeros_like(y)
    #   out[nonzero(y)] = 1.0 / y[nonzero(y)]
    #   out *= x
    # i.e. out = x * (1/y where y != 0 else 0)
    nz = y != 0
    safe_y = jnp.where(nz, y, jnp.ones_like(y))
    inv = jnp.where(nz, 1.0 / safe_y, jnp.zeros_like(y))
    out = inv * x
    return out

if __name__ == "__main__":
    import jax
    _d = setup_inputs()
    print(jax.jit(kernel)(*tuple(_d.values())))

</pallas_src>

<mosaic_0001>
#map = affine_map<(d0, d1) -> (0)>
module attributes {stable_mosaic.version = 14 : i64} {
  func.func @k(%arg0: i32, %arg1: i32, %arg2: memref<16777216xf32, #tpu.memory_space<hbm>>, %arg3: memref<16777216xf32, #tpu.memory_space<hbm>>, %arg4: memref<16777216xf32, #tpu.memory_space<hbm>>, %arg5: memref<16384xf32, #tpu.memory_space<vmem>>, %arg6: memref<16384xf32, #tpu.memory_space<vmem>>, %arg7: memref<16384xf32, #tpu.memory_space<vmem>>, %arg8: memref<16384xf32, #tpu.memory_space<vmem>>, %arg9: memref<16384xf32, #tpu.memory_space<vmem>>, %arg10: memref<16384xf32, #tpu.memory_space<vmem>>, %arg11: memref<!tpu.dma_semaphore, #tpu.memory_space<semaphore_mem>>, %arg12: memref<!tpu.dma_semaphore, #tpu.memory_space<semaphore_mem>>, %arg13: memref<!tpu.dma_semaphore, #tpu.memory_space<semaphore_mem>>, %arg14: memref<!tpu.dma_semaphore, #tpu.memory_space<semaphore_mem>>, %arg15: memref<!tpu.dma_semaphore, #tpu.memory_space<semaphore_mem>>, %arg16: memref<!tpu.dma_semaphore, #tpu.memory_space<semaphore_mem>>) attributes {dimension_semantics = [#tpu.dimension_semantics<core_parallel>, #tpu.dimension_semantics<subcore_parallel>], iteration_bounds = array<i64: 2, 16>, scalar_prefetch = 0 : i64, scratch_operands = 12 : i64, tpu.core_type = #tpu.core_type<sc_vector_subcore>, window_params = [{transform_indices = #map}, {transform_indices = #map}, {transform_indices = #map}]} {
    %mul3A = arith.constant 2 : i32
    %mul3A_0 = arith.muli %arg1, %mul3A : i32
    %add3A = arith.addi %mul3A_0, %arg0 : i32
    %mul3A_1 = arith.constant 524288 : i32
    %mul3A_2 = arith.muli %add3A, %mul3A_1 : i32
    %add3A_3 = arith.constant 0 : i32
    %add3A_4 = arith.addi %mul3A_2, %add3A_3 : i32
    %dma_start3A = tpu.memref_slice %arg2[%add3A_4] : memref<16777216xf32, #tpu.memory_space<hbm>> -> memref<16384xf32, #tpu.memory_space<hbm>>
    %dma_start3A_5 = tpu.memref_slice %arg2[%add3A_4] : memref<16777216xf32, #tpu.memory_space<hbm>> -> memref<16384xf32, #tpu.memory_space<hbm>>
    tpu.enqueue_dma source(%dma_start3A_5 : memref<16384xf32, #tpu.memory_space<hbm>>) target(%arg5 : memref<16384xf32, #tpu.memory_space<vmem>>) target_semaphore(%arg11 : memref<!tpu.dma_semaphore, #tpu.memory_space<semaphore_mem>>)
    %dma_start3A_6 = tpu.memref_slice %arg3[%add3A_4] : memref<16777216xf32, #tpu.memory_space<hbm>> -> memref<16384xf32, #tpu.memory_space<hbm>>
    %dma_start3A_7 = tpu.memref_slice %arg3[%add3A_4] : memref<16777216xf32, #tpu.memory_space<hbm>> -> memref<16384xf32, #tpu.memory_space<hbm>>
    tpu.enqueue_dma source(%dma_start3A_7 : memref<16384xf32, #tpu.memory_space<hbm>>) target(%arg7 : memref<16384xf32, #tpu.memory_space<vmem>>) target_semaphore(%arg13 : memref<!tpu.dma_semaphore, #tpu.memory_space<semaphore_mem>>)
    %add3A_8 = arith.constant 16384 : i32
    %add3A_9 = arith.addi %mul3A_2, %add3A_8 : i32
    %dma_start3A_10 = tpu.memref_slice %arg2[%add3A_9] : memref<16777216xf32, #tpu.memory_space<hbm>> -> memref<16384xf32, #tpu.memory_space<hbm>>
    %dma_start3A_11 = tpu.memref_slice %arg2[%add3A_9] : memref<16777216xf32, #tpu.memory_space<hbm>> -> memref<16384xf32, #tpu.memory_space<hbm>>
    tpu.enqueue_dma source(%dma_start3A_11 : memref<16384xf32, #tpu.memory_space<hbm>>) target(%arg6 : memref<16384xf32, #tpu.memory_space<vmem>>) target_semaphore(%arg12 : memref<!tpu.dma_semaphore, #tpu.memory_space<semaphore_mem>>)
    %dma_start3A_12 = tpu.memref_slice %arg3[%add3A_9] : memref<16777216xf32, #tpu.memory_space<hbm>> -> memref<16384xf32, #tpu.memory_space<hbm>>
    %dma_start3A_13 = tpu.memref_slice %arg3[%add3A_9] : memref<16777216xf32, #tpu.memory_space<hbm>> -> memref<16384xf32, #tpu.memory_space<hbm>>
    tpu.enqueue_dma source(%dma_start3A_13 : memref<16384xf32, #tpu.memory_space<hbm>>) target(%arg8 : memref<16384xf32, #tpu.memory_space<vmem>>) target_semaphore(%arg14 : memref<!tpu.dma_semaphore, #tpu.memory_space<semaphore_mem>>)
    %scan3A = arith.constant 0 : i32
    %scan3A_14 = arith.constant 0 : i32
    %scan3A_15 = arith.constant 16 : i32
    %scan3A_16 = arith.addi %scan3A_14, %scan3A_15 : i32
    %scan3A_17 = arith.constant 1 : i32
    scf.for %scan3A_26 = %scan3A_14 to %scan3A_16 step %scan3A_17  : i32 {
      %mul3A_27 = arith.constant 2 : i32
      %mul3A_28 = arith.muli %mul3A_27, %scan3A_26 : i32
      %add3A_29 = arith.constant 0 : i32
      %add3A_30 = arith.addi %mul3A_28, %add3A_29 : i32
      %dma_wait3A_31 = arith.constant 0 : i32
      %dma_wait3A_32 = tpu.memref_slice %arg2[%dma_wait3A_31] : memref<16777216xf32, #tpu.memory_space<hbm>> -> memref<16384xf32, #tpu.memory_space<hbm>>
      %dma_wait3A_33 = arith.constant 0 : i32
      %dma_wait3A_34 = tpu.memref_slice %arg2[%dma_wait3A_33] : memref<16777216xf32, #tpu.memory_space<hbm>> -> memref<16384xf32, #tpu.memory_space<hbm>>
      tpu.wait_dma2 semaphore(%arg11 : memref<!tpu.dma_semaphore, #tpu.memory_space<semaphore_mem>>) src(%dma_wait3A_34 : memref<16384xf32, #tpu.memory_space<hbm>>) dst(%arg5 : memref<16384xf32, #tpu.memory_space<vmem>>)
      %dma_wait3A_35 = arith.constant 0 : i32
      %dma_wait3A_36 = tpu.memref_slice %arg3[%dma_wait3A_35] : memref<16777216xf32, #tpu.memory_space<hbm>> -> memref<16384xf32, #tpu.memory_space<hbm>>
      %dma_wait3A_37 = arith.constant 0 : i32
      %dma_wait3A_38 = tpu.memref_slice %arg3[%dma_wait3A_37] : memref<16777216xf32, #tpu.memory_space<hbm>> -> memref<16384xf32, #tpu.memory_space<hbm>>
      tpu.wait_dma2 semaphore(%arg13 : memref<!tpu.dma_semaphore, #tpu.memory_space<semaphore_mem>>) src(%dma_wait3A_38 : memref<16384xf32, #tpu.memory_space<hbm>>) dst(%arg7 : memref<16384xf32, #tpu.memory_space<vmem>>)
      %gt3A = arith.constant 0 : i32
      %gt3A_39 = arith.cmpi sgt, %scan3A_26, %gt3A : i32
      %convert_element_type3A = arith.extui %gt3A_39 : i1 to i32
      %cond3A = arith.constant 0 : i32
      %cond3A_40 = arith.cmpi ne, %convert_element_type3A, %cond3A : i32
      scf.if %cond3A_40 {
        %dma_wait3A_89 = arith.constant 0 : i32
        %dma_wait3A_90 = tpu.memref_slice %arg4[%dma_wait3A_89] : memref<16777216xf32, #tpu.memory_space<hbm>> -> memref<16384xf32, #tpu.memory_space<hbm>>
        %dma_wait3A_91 = arith.constant 0 : i32
        %dma_wait3A_92 = tpu.memref_slice %arg4[%dma_wait3A_91] : memref<16777216xf32, #tpu.memory_space<hbm>> -> memref<16384xf32, #tpu.memory_space<hbm>>
        tpu.wait_dma2 semaphore(%arg15 : memref<!tpu.dma_semaphore, #tpu.memory_space<semaphore_mem>>) src(%arg9 : memref<16384xf32, #tpu.memory_space<vmem>>) dst(%dma_wait3A_92 : memref<16384xf32, #tpu.memory_space<hbm>>)
      } else {
      }
      %scan3A_41 = arith.constant 0 : i32
      %scan3A_42 = arith.constant 0 : i32
      %scan3A_43 = arith.constant 128 : i32
      %scan3A_44 = arith.addi %scan3A_42, %scan3A_43 : i32
      %scan3A_45 = arith.constant 1 : i32
      scf.for %scan3A_89 = %scan3A_42 to %scan3A_44 step %scan3A_45  : i32 {
        %mul3A_90 = arith.constant 8 : i32
        %mul3A_91 = arith.muli %scan3A_89, %mul3A_90 : i32
        %add3A_92 = arith.constant 0 : i32
        %add3A_93 = arith.addi %mul3A_91, %add3A_92 : i32
        %mul3A_94 = arith.constant 16 : i32
        %mul3A_95 = arith.muli %add3A_93, %mul3A_94 : i32
        %get3A = arith.index_cast %mul3A_95 : i32 to index
        %get3A_96 = tpu.vector_load %arg7[%get3A] {strides = array<i32>} : memref<16384xf32, #tpu.memory_space<vmem>>, vector<16xf32>,
        %get3A_97 = vector.shape_cast %get3A_96 : vector<16xf32> to vector<16xf32>
        %eq3A = arith.constant 0.000000e+00 : f32
        %eq3A_98 = vector.broadcast %eq3A : f32 to vector<16xf32>
        %eq3A_99 = arith.cmpf oeq, %get3A_97, %eq3A_98 : vector<16xf32>
        %jit3A = arith.constant 0x7F800000 : f32
        %broadcast_in_dim3A = vector.broadcast %jit3A : f32 to vector<16xf32>
        %select_n3A = arith.select %eq3A_99, %broadcast_in_dim3A, %get3A_97 : vector<16xi1>, vector<16xf32>
        %div3A = arith.constant 1.000000e+00 : f32
        %div3A_100 = vector.broadcast %div3A : f32 to vector<16xf32>
        %div3A_101 = arith.divf %div3A_100, %select_n3A : vector<16xf32>
        %get3A_102 = arith.index_cast %mul3A_95 : i32 to index
        %get3A_103 = tpu.vector_load %arg5[%get3A_102] {strides = array<i32>} : memref<16384xf32, #tpu.memory_space<vmem>>, vector<16xf32>,
        %get3A_104 = vector.shape_cast %get3A_103 : vector<16xf32> to vector<16xf32>
        %mul3A_105 = arith.mulf %div3A_101, %get3A_104 : vector<16xf32>
        %swap3A = arith.index_cast %mul3A_95 : i32 to index
        %swap3A_106 = tpu.vector_load %arg9[%swap3A] {strides = array<i32>} : memref<16384xf32, #tpu.memory_space<vmem>>, vector<16xf32>,
        %swap3A_107 = vector.shape_cast %swap3A_106 : vector<16xf32> to vector<16xf32>
        %swap3A_108 = vector.shape_cast %mul3A_105 : vector<16xf32> to vector<16xf32>
        tpu.vector_store %arg9[%swap3A], %swap3A_108 {strides = array<i32>} : memref<16384xf32, #tpu.memory_space<vmem>>, vector<16xf32>,
        %mul3A_109 = arith.constant 8 : i32
        %mul3A_110 = arith.muli %scan3A_89, %mul3A_109 : i32
        %add3A_111 = arith.constant 1 : i32
        %add3A_112 = arith.addi %mul3A_110, %add3A_111 : i32
        %mul3A_113 = arith.constant 16 : i32
        %mul3A_114 = arith.muli %add3A_112, %mul3A_113 : i32
        %get3A_115 = arith.index_cast %mul3A_114 : i32 to index
        %get3A_116 = tpu.vector_load %arg7[%get3A_115] {strides = array<i32>} : memref<16384xf32, #tpu.memory_space<vmem>>, vector<16xf32>,
        %get3A_117 = vector.shape_cast %get3A_116 : vector<16xf32> to vector<16xf32>
        %eq3A_118 = arith.constant 0.000000e+00 : f32
        %eq3A_119 = vector.broadcast %eq3A_118 : f32 to vector<16xf32>
        %eq3A_120 = arith.cmpf oeq, %get3A_117, %eq3A_119 : vector<16xf32>
        %jit3A_121 = arith.constant 0x7F800000 : f32
        %broadcast_in_dim3A_122 = vector.broadcast %jit3A_121 : f32 to vector<16xf32>
        %select_n3A_123 = arith.select %eq3A_120, %broadcast_in_dim3A_122, %get3A_117 : vector<16xi1>, vector<16xf32>
        %div3A_124 = arith.constant 1.000000e+00 : f32
        %div3A_125 = vector.broadcast %div3A_124 : f32 to vector<16xf32>
        %div3A_126 = arith.divf %div3A_125, %select_n3A_123 : vector<16xf32>
        %get3A_127 = arith.index_cast %mul3A_114 : i32 to index
        %get3A_128 = tpu.vector_load %arg5[%get3A_127] {strides = array<i32>} : memref<16384xf32, #tpu.memory_space<vmem>>, vector<16xf32>,
        %get3A_129 = vector.shape_cast %get3A_128 : vector<16xf32> to vector<16xf32>
        %mul3A_130 = arith.mulf %div3A_126, %get3A_129 : vector<16xf32>
        %swap3A_131 = arith.index_cast %mul3A_114 : i32 to index
        %swap3A_132 = tpu.vector_load %arg9[%swap3A_131] {strides = array<i32>} : memref<16384xf32, #tpu.memory_space<vmem>>, vector<16xf32>,
        %swap3A_133 = vector.shape_cast %swap3A_132 : vector<16xf32> to vector<16xf32>
        %swap3A_134 = vector.shape_cast %mul3A_130 : vector<16xf32> to vector<16xf32>
        tpu.vector_store %arg9[%swap3A_131], %swap3A_134 {strides = array<i32>} : memref<16384xf32, #tpu.memory_space<vmem>>, vector<16xf32>,
        %mul3A_135 = arith.constant 8 : i32
        %mul3A_136 = arith.muli %scan3A_89, %mul3A_135 : i32
        %add3A_137 = arith.constant 2 : i32
        %add3A_138 = arith.addi %mul3A_136, %add3A_137 : i32
        %mul3A_139 = arith.constant 16 : i32
        %mul3A_140 = arith.muli %add3A_138, %mul3A_139 : i32
        %get3A_141 = arith.index_cast %mul3A_140 : i32 to index
        %get3A_142 = tpu.vector_load %arg7[%get3A_141] {strides = array<i32>} : memref<16384xf32, #tpu.memory_space<vmem>>, vector<16xf32>,
        %get3A_143 = vector.shape_cast %get3A_142 : vector<16xf32> to vector<16xf32>
        %eq3A_144 = arith.constant 0.000000e+00 : f32
        %eq3A_145 = vector.broadcast %eq3A_144 : f32 to vector<16xf32>
        %eq3A_146 = arith.cmpf oeq, %get3A_143, %eq3A_145 : vector<16xf32>
        %jit3A_147 = arith.constant 0x7F800000 : f32
        %broadcast_in_dim3A_148 = vector.broadcast %jit3A_147 : f32 to vector<16xf32>
        %select_n3A_149 = arith.select %eq3A_146, %broadcast_in_dim3A_148, %get3A_143 : vector<16xi1>, vector<16xf32>
        %div3A_150 = arith.constant 1.000000e+00 : f32
        %div3A_151 = vector.broadcast %div3A_150 : f32 to vector<16xf32>
        %div3A_152 = arith.divf %div3A_151, %select_n3A_149 : vector<16xf32>
        %get3A_153 = arith.index_cast %mul3A_140 : i32 to index
        %get3A_154 = tpu.vector_load %arg5[%get3A_153] {strides = array<i32>} : memref<16384xf32, #tpu.memory_space<vmem>>, vector<16xf32>,
        %get3A_155 = vector.shape_cast %get3A_154 : vector<16xf32> to vector<16xf32>
        %mul3A_156 = arith.mulf %div3A_152, %get3A_155 : vector<16xf32>
        %swap3A_157 = arith.index_cast %mul3A_140 : i32 to index
        %swap3A_158 = tpu.vector_load %arg9[%swap3A_157] {strides = array<i32>} : memref<16384xf32, #tpu.memory_space<vmem>>, vector<16xf32>,
        %swap3A_159 = vector.shape_cast %swap3A_158 : vector<16xf32> to vector<16xf32>
        %swap3A_160 = vector.shape_cast %mul3A_156 : vector<16xf32> to vector<16xf32>
        tpu.vector_store %arg9[%swap3A_157], %swap3A_160 {strides = array<i32>} : memref<16384xf32, #tpu.memory_space<vmem>>, vector<16xf32>,
        %mul3A_161 = arith.constant 8 : i32
        %mul3A_162 = arith.muli %scan3A_89, %mul3A_161 : i32
        %add3A_163 = arith.constant 3 : i32
        %add3A_164 = arith.addi %mul3A_162, %add3A_163 : i32
        %mul3A_165 = arith.constant 16 : i32
        %mul3A_166 = arith.muli %add3A_164, %mul3A_165 : i32
        %get3A_167 = arith.index_cast %mul3A_166 : i32 to index
        %get3A_168 = tpu.vector_load %arg7[%get3A_167] {strides = array<i32>} : memref<16384xf32, #tpu.memory_space<vmem>>, vector<16xf32>,
        %get3A_169 = vector.shape_cast %get3A_168 : vector<16xf32> to vector<16xf32>
        %eq3A_170 = arith.constant 0.000000e+00 : f32
        %eq3A_171 = vector.broadcast %eq3A_170 : f32 to vector<16xf32>
        %eq3A_172 = arith.cmpf oeq, %get3A_169, %eq3A_171 : vector<16xf32>
        %jit3A_173 = arith.constant 0x7F800000 : f32
        %broadcast_in_dim3A_174 = vector.broadcast %jit3A_173 : f32 to vector<16xf32>
        %select_n3A_175 = arith.select %eq3A_172, %broadcast_in_dim3A_174, %get3A_169 : vector<16xi1>, vector<16xf32>
        %div3A_176 = arith.constant 1.000000e+00 : f32
        %div3A_177 = vector.broadcast %div3A_176 : f32 to vector<16xf32>
        %div3A_178 = arith.divf %div3A_177, %select_n3A_175 : vector<16xf32>
        %get3A_179 = arith.index_cast %mul3A_166 : i32 to index
        %get3A_180 = tpu.vector_load %arg5[%get3A_179] {strides = array<i32>} : memref<16384xf32, #tpu.memory_space<vmem>>, vector<16xf32>,
        %get3A_181 = vector.shape_cast %get3A_180 : vector<16xf32> to vector<16xf32>
        %mul3A_182 = arith.mulf %div3A_178, %get3A_181 : vector<16xf32>
        %swap3A_183 = arith.index_cast %mul3A_166 : i32 to index
        %swap3A_184 = tpu.vector_load %arg9[%swap3A_183] {strides = array<i32>} : memref<16384xf32, #tpu.memory_space<vmem>>, vector<16xf32>,
        %swap3A_185 = vector.shape_cast %swap3A_184 : vector<16xf32> to vector<16xf32>
        %swap3A_186 = vector.shape_cast %mul3A_182 : vector<16xf32> to vector<16xf32>
        tpu.vector_store %arg9[%swap3A_183], %swap3A_186 {strides = array<i32>} : memref<16384xf32, #tpu.memory_space<vmem>>, vector<16xf32>,
        %mul3A_187 = arith.constant 8 : i32
        %mul3A_188 = arith.muli %scan3A_89, %mul3A_187 : i32
        %add3A_189 = arith.constant 4 : i32
        %add3A_190 = arith.addi %mul3A_188, %add3A_189 : i32
        %mul3A_191 = arith.constant 16 : i32
        %mul3A_192 = arith.muli %add3A_190, %mul3A_191 : i32
        %get3A_193 = arith.index_cast %mul3A_192 : i32 to index
        %get3A_194 = tpu.vector_load %arg7[%get3A_193] {strides = array<i32>} : memref<16384xf32, #tpu.memory_space<vmem>>, vector<16xf32>,
        %get3A_195 = vector.shape_cast %get3A_194 : vector<16xf32> to vector<16xf32>
        %eq3A_196 = arith.constant 0.000000e+00 : f32
        %eq3A_197 = vector.broadcast %eq3A_196 : f32 to vector<16xf32>
        %eq3A_198 = arith.cmpf oeq, %get3A_195, %eq3A_197 : vector<16xf32>
        %jit3A_199 = arith.constant 0x7F800000 : f32
        %broadcast_in_dim3A_200 = vector.broadcast %jit3A_199 : f32 to vector<16xf32>
        %select_n3A_201 = arith.select %eq3A_198, %broadcast_in_dim3A_200, %get3A_195 : vector<16xi1>, vector<16xf32>
        %div3A_202 = arith.constant 1.000000e+00 : f32
        %div3A_203 = vector.broadcast %div3A_202 : f32 to vector<16xf32>
        %div3A_204 = arith.divf %div3A_203, %select_n3A_201 : vector<16xf32>
        %get3A_205 = arith.index_cast %mul3A_192 : i32 to index
        %get3A_206 = tpu.vector_load %arg5[%get3A_205] {strides = array<i32>} : memref<16384xf32, #tpu.memory_space<vmem>>, vector<16xf32>,
        %get3A_207 = vector.shape_cast %get3A_206 : vector<16xf32> to vector<16xf32>
        %mul3A_208 = arith.mulf %div3A_204, %get3A_207 : vector<16xf32>
        %swap3A_209 = arith.index_cast %mul3A_192 : i32 to index
        %swap3A_210 = tpu.vector_load %arg9[%swap3A_209] {strides = array<i32>} : memref<16384xf32, #tpu.memory_space<vmem>>, vector<16xf32>,
        %swap3A_211 = vector.shape_cast %swap3A_210 : vector<16xf32> to vector<16xf32>
        %swap3A_212 = vector.shape_cast %mul3A_208 : vector<16xf32> to vector<16xf32>
        tpu.vector_store %arg9[%swap3A_209], %swap3A_212 {strides = array<i32>} : memref<16384xf32, #tpu.memory_space<vmem>>, vector<16xf32>,
        %mul3A_213 = arith.constant 8 : i32
        %mul3A_214 = arith.muli %scan3A_89, %mul3A_213 : i32
        %add3A_215 = arith.constant 5 : i32
        %add3A_216 = arith.addi %mul3A_214, %add3A_215 : i32
        %mul3A_217 = arith.constant 16 : i32
        %mul3A_218 = arith.muli %add3A_216, %mul3A_217 : i32
        %get3A_219 = arith.index_cast %mul3A_218 : i32 to index
        %get3A_220 = tpu.vector_load %arg7[%get3A_219] {strides = array<i32>} : memref<16384xf32, #tpu.memory_space<vmem>>, vector<16xf32>,
        %get3A_221 = vector.shape_cast %get3A_220 : vector<16xf32> to vector<16xf32>
        %eq3A_222 = arith.constant 0.000000e+00 : f32
        %eq3A_223 = vector.broadcast %eq3A_222 : f32 to vector<16xf32>
        %eq3A_224 = arith.cmpf oeq, %get3A_221, %eq3A_223 : vector<16xf32>
        %jit3A_225 = arith.constant 0x7F800000 : f32
        %broadcast_in_dim3A_226 = vector.broadcast %jit3A_225 : f32 to vector<16xf32>
        %select_n3A_227 = arith.select %eq3A_224, %broadcast_in_dim3A_226, %get3A_221 : vector<16xi1>, vector<16xf32>
        %div3A_228 = arith.constant 1.000000e+00 : f32
        %div3A_229 = vector.broadcast %div3A_228 : f32 to vector<16xf32>
        %div3A_230 = arith.divf %div3A_229, %select_n3A_227 : vector<16xf32>
        %get3A_231 = arith.index_cast %mul3A_218 : i32 to index
        %get3A_232 = tpu.vector_load %arg5[%get3A_231] {strides = array<i32>} : memref<16384xf32, #tpu.memory_space<vmem>>, vector<16xf32>,
        %get3A_233 = vector.shape_cast %get3A_232 : vector<16xf32> to vector<16xf32>
        %mul3A_234 = arith.mulf %div3A_230, %get3A_233 : vector<16xf32>
        %swap3A_235 = arith.index_cast %mul3A_218 : i32 to index
        %swap3A_236 = tpu.vector_load %arg9[%swap3A_235] {strides = array<i32>} : memref<16384xf32, #tpu.memory_space<vmem>>, vector<16xf32>,
        %swap3A_237 = vector.shape_cast %swap3A_236 : vector<16xf32> to vector<16xf32>
        %swap3A_238 = vector.shape_cast %mul3A_234 : vector<16xf32> to vector<16xf32>
        tpu.vector_store %arg9[%swap3A_235], %swap3A_238 {strides = array<i32>} : memref<16384xf32, #tpu.memory_space<vmem>>, vector<16xf32>,
        %mul3A_239 = arith.constant 8 : i32
        %mul3A_240 = arith.muli %scan3A_89, %mul3A_239 : i32
        %add3A_241 = arith.constant 6 : i32
        %add3A_242 = arith.addi %mul3A_240, %add3A_241 : i32
        %mul3A_243 = arith.constant 16 : i32
        %mul3A_244 = arith.muli %add3A_242, %mul3A_243 : i32
        %get3A_245 = arith.index_cast %mul3A_244 : i32 to index
        %get3A_246 = tpu.vector_load %arg7[%get3A_245] {strides = array<i32>} : memref<16384xf32, #tpu.memory_space<vmem>>, vector<16xf32>,
        %get3A_247 = vector.shape_cast %get3A_246 : vector<16xf32> to vector<16xf32>
        %eq3A_248 = arith.constant 0.000000e+00 : f32
        %eq3A_249 = vector.broadcast %eq3A_248 : f32 to vector<16xf32>
        %eq3A_250 = arith.cmpf oeq, %get3A_247, %eq3A_249 : vector<16xf32>
        %jit3A_251 = arith.constant 0x7F800000 : f32
        %broadcast_in_dim3A_252 = vector.broadcast %jit3A_251 : f32 to vector<16xf32>
        %select_n3A_253 = arith.select %eq3A_250, %broadcast_in_dim3A_252, %get3A_247 : vector<16xi1>, vector<16xf32>
        %div3A_254 = arith.constant 1.000000e+00 : f32
        %div3A_255 = vector.broadcast %div3A_254 : f32 to vector<16xf32>
        %div3A_256 = arith.divf %div3A_255, %select_n3A_253 : vector<16xf32>
        %get3A_257 = arith.index_cast %mul3A_244 : i32 to index
        %get3A_258 = tpu.vector_load %arg5[%get3A_257] {strides = array<i32>} : memref<16384xf32, #tpu.memory_space<vmem>>, vector<16xf32>,
        %get3A_259 = vector.shape_cast %get3A_258 : vector<16xf32> to vector<16xf32>
        %mul3A_260 = arith.mulf %div3A_256, %get3A_259 : vector<16xf32>
        %swap3A_261 = arith.index_cast %mul3A_244 : i32 to index
        %swap3A_262 = tpu.vector_load %arg9[%swap3A_261] {strides = array<i32>} : memref<16384xf32, #tpu.memory_space<vmem>>, vector<16xf32>,
        %swap3A_263 = vector.shape_cast %swap3A_262 : vector<16xf32> to vector<16xf32>
        %swap3A_264 = vector.shape_cast %mul3A_260 : vector<16xf32> to vector<16xf32>
        tpu.vector_store %arg9[%swap3A_261], %swap3A_264 {strides = array<i32>} : memref<16384xf32, #tpu.memory_space<vmem>>, vector<16xf32>,
        %mul3A_265 = arith.constant 8 : i32
        %mul3A_266 = arith.muli %scan3A_89, %mul3A_265 : i32
        %add3A_267 = arith.constant 7 : i32
        %add3A_268 = arith.addi %mul3A_266, %add3A_267 : i32
        %mul3A_269 = arith.constant 16 : i32
        %mul3A_270 = arith.muli %add3A_268, %mul3A_269 : i32
        %get3A_271 = arith.index_cast %mul3A_270 : i32 to index
        %get3A_272 = tpu.vector_load %arg7[%get3A_271] {strides = array<i32>} : memref<16384xf32, #tpu.memory_space<vmem>>, vector<16xf32>,
        %get3A_273 = vector.shape_cast %get3A_272 : vector<16xf32> to vector<16xf32>
        %eq3A_274 = arith.constant 0.000000e+00 : f32
        %eq3A_275 = vector.broadcast %eq3A_274 : f32 to vector<16xf32>
        %eq3A_276 = arith.cmpf oeq, %get3A_273, %eq3A_275 : vector<16xf32>
        %jit3A_277 = arith.constant 0x7F800000 : f32
        %broadcast_in_dim3A_278 = vector.broadcast %jit3A_277 : f32 to vector<16xf32>
        %select_n3A_279 = arith.select %eq3A_276, %broadcast_in_dim3A_278, %get3A_273 : vector<16xi1>, vector<16xf32>
        %div3A_280 = arith.constant 1.000000e+00 : f32
        %div3A_281 = vector.broadcast %div3A_280 : f32 to vector<16xf32>
        %div3A_282 = arith.divf %div3A_281, %select_n3A_279 : vector<16xf32>
        %get3A_283 = arith.index_cast %mul3A_270 : i32 to index
        %get3A_284 = tpu.vector_load %arg5[%get3A_283] {strides = array<i32>} : memref<16384xf32, #tpu.memory_space<vmem>>, vector<16xf32>,
        %get3A_285 = vector.shape_cast %get3A_284 : vector<16xf32> to vector<16xf32>
        %mul3A_286 = arith.mulf %div3A_282, %get3A_285 : vector<16xf32>
        %swap3A_287 = arith.index_cast %mul3A_270 : i32 to index
        %swap3A_288 = tpu.vector_load %arg9[%swap3A_287] {strides = array<i32>} : memref<16384xf32, #tpu.memory_space<vmem>>, vector<16xf32>,
        %swap3A_289 = vector.shape_cast %swap3A_288 : vector<16xf32> to vector<16xf32>
        %swap3A_290 = vector.shape_cast %mul3A_286 : vector<16xf32> to vector<16xf32>
        tpu.vector_store %arg9[%swap3A_287], %swap3A_290 {strides = array<i32>} : memref<16384xf32, #tpu.memory_space<vmem>>, vector<16xf32>,
      }
      %scan3A_46 = arith.constant 128 : i32
      %mul3A_47 = arith.constant 16384 : i32
      %mul3A_48 = arith.muli %add3A_30, %mul3A_47 : i32
      %add3A_49 = arith.addi %mul3A_2, %mul3A_48 : i32
      %dma_start3A_50 = tpu.memref_slice %arg4[%add3A_49] : memref<16777216xf32, #tpu.memory_space<hbm>> -> memref<16384xf32, #tpu.memory_space<hbm>>
      %dma_start3A_51 = tpu.memref_slice %arg4[%add3A_49] : memref<16777216xf32, #tpu.memory_space<hbm>> -> memref<16384xf32, #tpu.memory_space<hbm>>
      tpu.enqueue_dma source(%arg9 : memref<16384xf32, #tpu.memory_space<vmem>>) target(%dma_start3A_51 : memref<16384xf32, #tpu.memory_space<hbm>>) target_semaphore(%arg15 : memref<!tpu.dma_semaphore, #tpu.memory_space<semaphore_mem>>)
      %lt3A = arith.constant 15 : i32
      %lt3A_52 = arith.cmpi slt, %scan3A_26, %lt3A : i32
      %convert_element_type3A_53 = arith.extui %lt3A_52 : i1 to i32
      %cond3A_54 = arith.constant 0 : i32
      %cond3A_55 = arith.cmpi ne, %convert_element_type3A_53, %cond3A_54 : i32
      scf.if %cond3A_55 {
        %add3A_89 = arith.constant 2 : i32
        %add3A_90 = arith.addi %add3A_30, %add3A_89 : i32
        %mul3A_91 = arith.constant 16384 : i32
        %mul3A_92 = arith.muli %add3A_90, %mul3A_91 : i32
        %add3A_93 = arith.addi %mul3A_2, %mul3A_92 : i32
        %dma_start3A_94 = tpu.memref_slice %arg2[%add3A_93] : memref<16777216xf32, #tpu.memory_space<hbm>> -> memref<16384xf32, #tpu.memory_space<hbm>>
        %dma_start3A_95 = tpu.memref_slice %arg2[%add3A_93] : memref<16777216xf32, #tpu.memory_space<hbm>> -> memref<16384xf32, #tpu.memory_space<hbm>>
        tpu.enqueue_dma source(%dma_start3A_95 : memref<16384xf32, #tpu.memory_space<hbm>>) target(%arg5 : memref<16384xf32, #tpu.memory_space<vmem>>) target_semaphore(%arg11 : memref<!tpu.dma_semaphore, #tpu.memory_space<semaphore_mem>>)
        %dma_start3A_96 = tpu.memref_slice %arg3[%add3A_93] : memref<16777216xf32, #tpu.memory_space<hbm>> -> memref<16384xf32, #tpu.memory_space<hbm>>
        %dma_start3A_97 = tpu.memref_slice %arg3[%add3A_93] : memref<16777216xf32, #tpu.memory_space<hbm>> -> memref<16384xf32, #tpu.memory_space<hbm>>
        tpu.enqueue_dma source(%dma_start3A_97 : memref<16384xf32, #tpu.memory_space<hbm>>) target(%arg7 : memref<16384xf32, #tpu.memory_space<vmem>>) target_semaphore(%arg13 : memref<!tpu.dma_semaphore, #tpu.memory_space<semaphore_mem>>)
      } else {
      }
      %mul3A_56 = arith.constant 2 : i32
      %mul3A_57 = arith.muli %mul3A_56, %scan3A_26 : i32
      %add3A_58 = arith.constant 1 : i32
      %add3A_59 = arith.addi %mul3A_57, %add3A_58 : i32
      %dma_wait3A_60 = arith.constant 0 : i32
      %dma_wait3A_61 = tpu.memref_slice %arg2[%dma_wait3A_60] : memref<16777216xf32, #tpu.memory_space<hbm>> -> memref<16384xf32, #tpu.memory_space<hbm>>
      %dma_wait3A_62 = arith.constant 0 : i32
      %dma_wait3A_63 = tpu.memref_slice %arg2[%dma_wait3A_62] : memref<16777216xf32, #tpu.memory_space<hbm>> -> memref<16384xf32, #tpu.memory_space<hbm>>
      tpu.wait_dma2 semaphore(%arg12 : memref<!tpu.dma_semaphore, #tpu.memory_space<semaphore_mem>>) src(%dma_wait3A_63 : memref<16384xf32, #tpu.memory_space<hbm>>) dst(%arg6 : memref<16384xf32, #tpu.memory_space<vmem>>)
      %dma_wait3A_64 = arith.constant 0 : i32
      %dma_wait3A_65 = tpu.memref_slice %arg3[%dma_wait3A_64] : memref<16777216xf32, #tpu.memory_space<hbm>> -> memref<16384xf32, #tpu.memory_space<hbm>>
      %dma_wait3A_66 = arith.constant 0 : i32
      %dma_wait3A_67 = tpu.memref_slice %arg3[%dma_wait3A_66] : memref<16777216xf32, #tpu.memory_space<hbm>> -> memref<16384xf32, #tpu.memory_space<hbm>>
      tpu.wait_dma2 semaphore(%arg14 : memref<!tpu.dma_semaphore, #tpu.memory_space<semaphore_mem>>) src(%dma_wait3A_67 : memref<16384xf32, #tpu.memory_space<hbm>>) dst(%arg8 : memref<16384xf32, #tpu.memory_space<vmem>>)
      %gt3A_68 = arith.constant 0 : i32
      %gt3A_69 = arith.cmpi sgt, %scan3A_26, %gt3A_68 : i32
      %convert_element_type3A_70 = arith.extui %gt3A_69 : i1 to i32
      %cond3A_71 = arith.constant 0 : i32
      %cond3A_72 = arith.cmpi ne, %convert_element_type3A_70, %cond3A_71 : i32
      scf.if %cond3A_72 {
        %dma_wait3A_89 = arith.constant 0 : i32
        %dma_wait3A_90 = tpu.memref_slice %arg4[%dma_wait3A_89] : memref<16777216xf32, #tpu.memory_space<hbm>> -> memref<16384xf32, #tpu.memory_space<hbm>>
        %dma_wait3A_91 = arith.constant 0 : i32
        %dma_wait3A_92 = tpu.memref_slice %arg4[%dma_wait3A_91] : memref<16777216xf32, #tpu.memory_space<hbm>> -> memref<16384xf32, #tpu.memory_space<hbm>>
        tpu.wait_dma2 semaphore(%arg16 : memref<!tpu.dma_semaphore, #tpu.memory_space<semaphore_mem>>) src(%arg10 : memref<16384xf32, #tpu.memory_space<vmem>>) dst(%dma_wait3A_92 : memref<16384xf32, #tpu.memory_space<hbm>>)
      } else {
      }
      %scan3A_73 = arith.constant 0 : i32
      %scan3A_74 = arith.constant 0 : i32
      %scan3A_75 = arith.constant 128 : i32
      %scan3A_76 = arith.addi %scan3A_74, %scan3A_75 : i32
      %scan3A_77 = arith.constant 1 : i32
      scf.for %scan3A_89 = %scan3A_74 to %scan3A_76 step %scan3A_77  : i32 {
        %mul3A_90 = arith.constant 8 : i32
        %mul3A_91 = arith.muli %scan3A_89, %mul3A_90 : i32
        %add3A_92 = arith.constant 0 : i32
        %add3A_93 = arith.addi %mul3A_91, %add3A_92 : i32
        %mul3A_94 = arith.constant 16 : i32
        %mul3A_95 = arith.muli %add3A_93, %mul3A_94 : i32
        %get3A = arith.index_cast %mul3A_95 : i32 to index
        %get3A_96 = tpu.vector_load %arg8[%get3A] {strides = array<i32>} : memref<16384xf32, #tpu.memory_space<vmem>>, vector<16xf32>,
        %get3A_97 = vector.shape_cast %get3A_96 : vector<16xf32> to vector<16xf32>
        %eq3A = arith.constant 0.000000e+00 : f32
        %eq3A_98 = vector.broadcast %eq3A : f32 to vector<16xf32>
        %eq3A_99 = arith.cmpf oeq, %get3A_97, %eq3A_98 : vector<16xf32>
        %jit3A = arith.constant 0x7F800000 : f32
        %broadcast_in_dim3A = vector.broadcast %jit3A : f32 to vector<16xf32>
        %select_n3A = arith.select %eq3A_99, %broadcast_in_dim3A, %get3A_97 : vector<16xi1>, vector<16xf32>
        %div3A = arith.constant 1.000000e+00 : f32
        %div3A_100 = vector.broadcast %div3A : f32 to vector<16xf32>
        %div3A_101 = arith.divf %div3A_100, %select_n3A : vector<16xf32>
        %get3A_102 = arith.index_cast %mul3A_95 : i32 to index
        %get3A_103 = tpu.vector_load %arg6[%get3A_102] {strides = array<i32>} : memref<16384xf32, #tpu.memory_space<vmem>>, vector<16xf32>,
        %get3A_104 = vector.shape_cast %get3A_103 : vector<16xf32> to vector<16xf32>
        %mul3A_105 = arith.mulf %div3A_101, %get3A_104 : vector<16xf32>
        %swap3A = arith.index_cast %mul3A_95 : i32 to index
        %swap3A_106 = tpu.vector_load %arg10[%swap3A] {strides = array<i32>} : memref<16384xf32, #tpu.memory_space<vmem>>, vector<16xf32>,
        %swap3A_107 = vector.shape_cast %swap3A_106 : vector<16xf32> to vector<16xf32>
        %swap3A_108 = vector.shape_cast %mul3A_105 : vector<16xf32> to vector<16xf32>
        tpu.vector_store %arg10[%swap3A], %swap3A_108 {strides = array<i32>} : memref<16384xf32, #tpu.memory_space<vmem>>, vector<16xf32>,
        %mul3A_109 = arith.constant 8 : i32
        %mul3A_110 = arith.muli %scan3A_89, %mul3A_109 : i32
        %add3A_111 = arith.constant 1 : i32
        %add3A_112 = arith.addi %mul3A_110, %add3A_111 : i32
        %mul3A_113 = arith.constant 16 : i32
        %mul3A_114 = arith.muli %add3A_112, %mul3A_113 : i32
        %get3A_115 = arith.index_cast %mul3A_114 : i32 to index
        %get3A_116 = tpu.vector_load %arg8[%get3A_115] {strides = array<i32>} : memref<16384xf32, #tpu.memory_space<vmem>>, vector<16xf32>,
        %get3A_117 = vector.shape_cast %get3A_116 : vector<16xf32> to vector<16xf32>
        %eq3A_118 = arith.constant 0.000000e+00 : f32
        %eq3A_119 = vector.broadcast %eq3A_118 : f32 to vector<16xf32>
        %eq3A_120 = arith.cmpf oeq, %get3A_117, %eq3A_119 : vector<16xf32>
        %jit3A_121 = arith.constant 0x7F800000 : f32
        %broadcast_in_dim3A_122 = vector.broadcast %jit3A_121 : f32 to vector<16xf32>
        %select_n3A_123 = arith.select %eq3A_120, %broadcast_in_dim3A_122, %get3A_117 : vector<16xi1>, vector<16xf32>
        %div3A_124 = arith.constant 1.000000e+00 : f32
        %div3A_125 = vector.broadcast %div3A_124 : f32 to vector<16xf32>
        %div3A_126 = arith.divf %div3A_125, %select_n3A_123 : vector<16xf32>
        %get3A_127 = arith.index_cast %mul3A_114 : i32 to index
        %get3A_128 = tpu.vector_load %arg6[%get3A_127] {strides = array<i32>} : memref<16384xf32, #tpu.memory_space<vmem>>, vector<16xf32>,
        %get3A_129 = vector.shape_cast %get3A_128 : vector<16xf32> to vector<16xf32>
        %mul3A_130 = arith.mulf %div3A_126, %get3A_129 : vector<16xf32>
        %swap3A_131 = arith.index_cast %mul3A_114 : i32 to index
        %swap3A_132 = tpu.vector_load %arg10[%swap3A_131] {strides = array<i32>} : memref<16384xf32, #tpu.memory_space<vmem>>, vector<16xf32>,
        %swap3A_133 = vector.shape_cast %swap3A_132 : vector<16xf32> to vector<16xf32>
        %swap3A_134 = vector.shape_cast %mul3A_130 : vector<16xf32> to vector<16xf32>
        tpu.vector_store %arg10[%swap3A_131], %swap3A_134 {strides = array<i32>} : memref<16384xf32, #tpu.memory_space<vmem>>, vector<16xf32>,
        %mul3A_135 = arith.constant 8 : i32
        %mul3A_136 = arith.muli %scan3A_89, %mul3A_135 : i32
        %add3A_137 = arith.constant 2 : i32
        %add3A_138 = arith.addi %mul3A_136, %add3A_137 : i32
        %mul3A_139 = arith.constant 16 : i32
        %mul3A_140 = arith.muli %add3A_138, %mul3A_139 : i32
        %get3A_141 = arith.index_cast %mul3A_140 : i32 to index
        %get3A_142 = tpu.vector_load %arg8[%get3A_141] {strides = array<i32>} : memref<16384xf32, #tpu.memory_space<vmem>>, vector<16xf32>,
        %get3A_143 = vector.shape_cast %get3A_142 : vector<16xf32> to vector<16xf32>
        %eq3A_144 = arith.constant 0.000000e+00 : f32
        %eq3A_145 = vector.broadcast %eq3A_144 : f32 to vector<16xf32>
        %eq3A_146 = arith.cmpf oeq, %get3A_143, %eq3A_145 : vector<16xf32>
        %jit3A_147 = arith.constant 0x7F800000 : f32
        %broadcast_in_dim3A_148 = vector.broadcast %jit3A_147 : f32 to vector<16xf32>
        %select_n3A_149 = arith.select %eq3A_146, %broadcast_in_dim3A_148, %get3A_143 : vector<16xi1>, vector<16xf32>
        %div3A_150 = arith.constant 1.000000e+00 : f32
        %div3A_151 = vector.broadcast %div3A_150 : f32 to vector<16xf32>
        %div3A_152 = arith.divf %div3A_151, %select_n3A_149 : vector<16xf32>
        %get3A_153 = arith.index_cast %mul3A_140 : i32 to index
        %get3A_154 = tpu.vector_load %arg6[%get3A_153] {strides = array<i32>} : memref<16384xf32, #tpu.memory_space<vmem>>, vector<16xf32>,
        %get3A_155 = vector.shape_cast %get3A_154 : vector<16xf32> to vector<16xf32>
        %mul3A_156 = arith.mulf %div3A_152, %get3A_155 : vector<16xf32>
        %swap3A_157 = arith.index_cast %mul3A_140 : i32 to index
        %swap3A_158 = tpu.vector_load %arg10[%swap3A_157] {strides = array<i32>} : memref<16384xf32, #tpu.memory_space<vmem>>, vector<16xf32>,
        %swap3A_159 = vector.shape_cast %swap3A_158 : vector<16xf32> to vector<16xf32>
        %swap3A_160 = vector.shape_cast %mul3A_156 : vector<16xf32> to vector<16xf32>
        tpu.vector_store %arg10[%swap3A_157], %swap3A_160 {strides = array<i32>} : memref<16384xf32, #tpu.memory_space<vmem>>, vector<16xf32>,
        %mul3A_161 = arith.constant 8 : i32
        %mul3A_162 = arith.muli %scan3A_89, %mul3A_161 : i32
        %add3A_163 = arith.constant 3 : i32
        %add3A_164 = arith.addi %mul3A_162, %add3A_163 : i32
        %mul3A_165 = arith.constant 16 : i32
        %mul3A_166 = arith.muli %add3A_164, %mul3A_165 : i32
        %get3A_167 = arith.index_cast %mul3A_166 : i32 to index
        %get3A_168 = tpu.vector_load %arg8[%get3A_167] {strides = array<i32>} : memref<16384xf32, #tpu.memory_space<vmem>>, vector<16xf32>,
        %get3A_169 = vector.shape_cast %get3A_168 : vector<16xf32> to vector<16xf32>
        %eq3A_170 = arith.constant 0.000000e+00 : f32
        %eq3A_171 = vector.broadcast %eq3A_170 : f32 to vector<16xf32>
        %eq3A_172 = arith.cmpf oeq, %get3A_169, %eq3A_171 : vector<16xf32>
        %jit3A_173 = arith.constant 0x7F800000 : f32
        %broadcast_in_dim3A_174 = vector.broadcast %jit3A_173 : f32 to vector<16xf32>
        %select_n3A_175 = arith.select %eq3A_172, %broadcast_in_dim3A_174, %get3A_169 : vector<16xi1>, vector<16xf32>
        %div3A_176 = arith.constant 1.000000e+00 : f32
        %div3A_177 = vector.broadcast %div3A_176 : f32 to vector<16xf32>
        %div3A_178 = arith.divf %div3A_177, %select_n3A_175 : vector<16xf32>
        %get3A_179 = arith.index_cast %mul3A_166 : i32 to index
        %get3A_180 = tpu.vector_load %arg6[%get3A_179] {strides = array<i32>} : memref<16384xf32, #tpu.memory_space<vmem>>, vector<16xf32>,
        %get3A_181 = vector.shape_cast %get3A_180 : vector<16xf32> to vector<16xf32>
        %mul3A_182 = arith.mulf %div3A_178, %get3A_181 : vector<16xf32>
        %swap3A_183 = arith.index_cast %mul3A_166 : i32 to index
        %swap3A_184 = tpu.vector_load %arg10[%swap3A_183] {strides = array<i32>} : memref<16384xf32, #tpu.memory_space<vmem>>, vector<16xf32>,
        %swap3A_185 = vector.shape_cast %swap3A_184 : vector<16xf32> to vector<16xf32>
        %swap3A_186 = vector.shape_cast %mul3A_182 : vector<16xf32> to vector<16xf32>
        tpu.vector_store %arg10[%swap3A_183], %swap3A_186 {strides = array<i32>} : memref<16384xf32, #tpu.memory_space<vmem>>, vector<16xf32>,
        %mul3A_187 = arith.constant 8 : i32
        %mul3A_188 = arith.muli %scan3A_89, %mul3A_187 : i32
        %add3A_189 = arith.constant 4 : i32
        %add3A_190 = arith.addi %mul3A_188, %add3A_189 : i32
        %mul3A_191 = arith.constant 16 : i32
        %mul3A_192 = arith.muli %add3A_190, %mul3A_191 : i32
        %get3A_193 = arith.index_cast %mul3A_192 : i32 to index
        %get3A_194 = tpu.vector_load %arg8[%get3A_193] {strides = array<i32>} : memref<16384xf32, #tpu.memory_space<vmem>>, vector<16xf32>,
        %get3A_195 = vector.shape_cast %get3A_194 : vector<16xf32> to vector<16xf32>
        %eq3A_196 = arith.constant 0.000000e+00 : f32
        %eq3A_197 = vector.broadcast %eq3A_196 : f32 to vector<16xf32>
        %eq3A_198 = arith.cmpf oeq, %get3A_195, %eq3A_197 : vector<16xf32>
        %jit3A_199 = arith.constant 0x7F800000 : f32
        %broadcast_in_dim3A_200 = vector.broadcast %jit3A_199 : f32 to vector<16xf32>
        %select_n3A_201 = arith.select %eq3A_198, %broadcast_in_dim3A_200, %get3A_195 : vector<16xi1>, vector<16xf32>
        %div3A_202 = arith.constant 1.000000e+00 : f32
        %div3A_203 = vector.broadcast %div3A_202 : f32 to vector<16xf32>
        %div3A_204 = arith.divf %div3A_203, %select_n3A_201 : vector<16xf32>
        %get3A_205 = arith.index_cast %mul3A_192 : i32 to index
        %get3A_206 = tpu.vector_load %arg6[%get3A_205] {strides = array<i32>} : memref<16384xf32, #tpu.memory_space<vmem>>, vector<16xf32>,
        %get3A_207 = vector.shape_cast %get3A_206 : vector<16xf32> to vector<16xf32>
        %mul3A_208 = arith.mulf %div3A_204, %get3A_207 : vector<16xf32>
        %swap3A_209 = arith.index_cast %mul3A_192 : i32 to index
        %swap3A_210 = tpu.vector_load %arg10[%swap3A_209] {strides = array<i32>} : memref<16384xf32, #tpu.memory_space<vmem>>, vector<16xf32>,
        %swap3A_211 = vector.shape_cast %swap3A_210 : vector<16xf32> to vector<16xf32>
        %swap3A_212 = vector.shape_cast %mul3A_208 : vector<16xf32> to vector<16xf32>
        tpu.vector_store %arg10[%swap3A_209], %swap3A_212 {strides = array<i32>} : memref<16384xf32, #tpu.memory_space<vmem>>, vector<16xf32>,
        %mul3A_213 = arith.constant 8 : i32
        %mul3A_214 = arith.muli %scan3A_89, %mul3A_213 : i32
        %add3A_215 = arith.constant 5 : i32
        %add3A_216 = arith.addi %mul3A_214, %add3A_215 : i32
        %mul3A_217 = arith.constant 16 : i32
        %mul3A_218 = arith.muli %add3A_216, %mul3A_217 : i32
        %get3A_219 = arith.index_cast %mul3A_218 : i32 to index
        %get3A_220 = tpu.vector_load %arg8[%get3A_219] {strides = array<i32>} : memref<16384xf32, #tpu.memory_space<vmem>>, vector<16xf32>,
        %get3A_221 = vector.shape_cast %get3A_220 : vector<16xf32> to vector<16xf32>
        %eq3A_222 = arith.constant 0.000000e+00 : f32
        %eq3A_223 = vector.broadcast %eq3A_222 : f32 to vector<16xf32>
        %eq3A_224 = arith.cmpf oeq, %get3A_221, %eq3A_223 : vector<16xf32>
        %jit3A_225 = arith.constant 0x7F800000 : f32
        %broadcast_in_dim3A_226 = vector.broadcast %jit3A_225 : f32 to vector<16xf32>
        %select_n3A_227 = arith.select %eq3A_224, %broadcast_in_dim3A_226, %get3A_221 : vector<16xi1>, vector<16xf32>
        %div3A_228 = arith.constant 1.000000e+00 : f32
        %div3A_229 = vector.broadcast %div3A_228 : f32 to vector<16xf32>
        %div3A_230 = arith.divf %div3A_229, %select_n3A_227 : vector<16xf32>
        %get3A_231 = arith.index_cast %mul3A_218 : i32 to index
        %get3A_232 = tpu.vector_load %arg6[%get3A_231] {strides = array<i32>} : memref<16384xf32, #tpu.memory_space<vmem>>, vector<16xf32>,
        %get3A_233 = vector.shape_cast %get3A_232 : vector<16xf32> to vector<16xf32>
        %mul3A_234 = arith.mulf %div3A_230, %get3A_233 : vector<16xf32>
        %swap3A_235 = arith.index_cast %mul3A_218 : i32 to index
        %swap3A_236 = tpu.vector_load %arg10[%swap3A_235] {strides = array<i32>} : memref<16384xf32, #tpu.memory_space<vmem>>, vector<16xf32>,
        %swap3A_237 = vector.shape_cast %swap3A_236 : vector<16xf32> to vector<16xf32>
        %swap3A_238 = vector.shape_cast %mul3A_234 : vector<16xf32> to vector<16xf32>
        tpu.vector_store %arg10[%swap3A_235], %swap3A_238 {strides = array<i32>} : memref<16384xf32, #tpu.memory_space<vmem>>, vector<16xf32>,
        %mul3A_239 = arith.constant 8 : i32
        %mul3A_240 = arith.muli %scan3A_89, %mul3A_239 : i32
        %add3A_241 = arith.constant 6 : i32
        %add3A_242 = arith.addi %mul3A_240, %add3A_241 : i32
        %mul3A_243 = arith.constant 16 : i32
        %mul3A_244 = arith.muli %add3A_242, %mul3A_243 : i32
        %get3A_245 = arith.index_cast %mul3A_244 : i32 to index
        %get3A_246 = tpu.vector_load %arg8[%get3A_245] {strides = array<i32>} : memref<16384xf32, #tpu.memory_space<vmem>>, vector<16xf32>,
        %get3A_247 = vector.shape_cast %get3A_246 : vector<16xf32> to vector<16xf32>
        %eq3A_248 = arith.constant 0.000000e+00 : f32
        %eq3A_249 = vector.broadcast %eq3A_248 : f32 to vector<16xf32>
        %eq3A_250 = arith.cmpf oeq, %get3A_247, %eq3A_249 : vector<16xf32>
        %jit3A_251 = arith.constant 0x7F800000 : f32
        %broadcast_in_dim3A_252 = vector.broadcast %jit3A_251 : f32 to vector<16xf32>
        %select_n3A_253 = arith.select %eq3A_250, %broadcast_in_dim3A_252, %get3A_247 : vector<16xi1>, vector<16xf32>
        %div3A_254 = arith.constant 1.000000e+00 : f32
        %div3A_255 = vector.broadcast %div3A_254 : f32 to vector<16xf32>
        %div3A_256 = arith.divf %div3A_255, %select_n3A_253 : vector<16xf32>
        %get3A_257 = arith.index_cast %mul3A_244 : i32 to index
        %get3A_258 = tpu.vector_load %arg6[%get3A_257] {strides = array<i32>} : memref<16384xf32, #tpu.memory_space<vmem>>, vector<16xf32>,
        %get3A_259 = vector.shape_cast %get3A_258 : vector<16xf32> to vector<16xf32>
        %mul3A_260 = arith.mulf %div3A_256, %get3A_259 : vector<16xf32>
        %swap3A_261 = arith.index_cast %mul3A_244 : i32 to index
        %swap3A_262 = tpu.vector_load %arg10[%swap3A_261] {strides = array<i32>} : memref<16384xf32, #tpu.memory_space<vmem>>, vector<16xf32>,
        %swap3A_263 = vector.shape_cast %swap3A_262 : vector<16xf32> to vector<16xf32>
        %swap3A_264 = vector.shape_cast %mul3A_260 : vector<16xf32> to vector<16xf32>
        tpu.vector_store %arg10[%swap3A_261], %swap3A_264 {strides = array<i32>} : memref<16384xf32, #tpu.memory_space<vmem>>, vector<16xf32>,
        %mul3A_265 = arith.constant 8 : i32
        %mul3A_266 = arith.muli %scan3A_89, %mul3A_265 : i32
        %add3A_267 = arith.constant 7 : i32
        %add3A_268 = arith.addi %mul3A_266, %add3A_267 : i32
        %mul3A_269 = arith.constant 16 : i32
        %mul3A_270 = arith.muli %add3A_268, %mul3A_269 : i32
        %get3A_271 = arith.index_cast %mul3A_270 : i32 to index
        %get3A_272 = tpu.vector_load %arg8[%get3A_271] {strides = array<i32>} : memref<16384xf32, #tpu.memory_space<vmem>>, vector<16xf32>,
        %get3A_273 = vector.shape_cast %get3A_272 : vector<16xf32> to vector<16xf32>
        %eq3A_274 = arith.constant 0.000000e+00 : f32
        %eq3A_275 = vector.broadcast %eq3A_274 : f32 to vector<16xf32>
        %eq3A_276 = arith.cmpf oeq, %get3A_273, %eq3A_275 : vector<16xf32>
        %jit3A_277 = arith.constant 0x7F800000 : f32
        %broadcast_in_dim3A_278 = vector.broadcast %jit3A_277 : f32 to vector<16xf32>
        %select_n3A_279 = arith.select %eq3A_276, %broadcast_in_dim3A_278, %get3A_273 : vector<16xi1>, vector<16xf32>
        %div3A_280 = arith.constant 1.000000e+00 : f32
        %div3A_281 = vector.broadcast %div3A_280 : f32 to vector<16xf32>
        %div3A_282 = arith.divf %div3A_281, %select_n3A_279 : vector<16xf32>
        %get3A_283 = arith.index_cast %mul3A_270 : i32 to index
        %get3A_284 = tpu.vector_load %arg6[%get3A_283] {strides = array<i32>} : memref<16384xf32, #tpu.memory_space<vmem>>, vector<16xf32>,
        %get3A_285 = vector.shape_cast %get3A_284 : vector<16xf32> to vector<16xf32>
        %mul3A_286 = arith.mulf %div3A_282, %get3A_285 : vector<16xf32>
        %swap3A_287 = arith.index_cast %mul3A_270 : i32 to index
        %swap3A_288 = tpu.vector_load %arg10[%swap3A_287] {strides = array<i32>} : memref<16384xf32, #tpu.memory_space<vmem>>, vector<16xf32>,
        %swap3A_289 = vector.shape_cast %swap3A_288 : vector<16xf32> to vector<16xf32>
        %swap3A_290 = vector.shape_cast %mul3A_286 : vector<16xf32> to vector<16xf32>
        tpu.vector_store %arg10[%swap3A_287], %swap3A_290 {strides = array<i32>} : memref<16384xf32, #tpu.memory_space<vmem>>, vector<16xf32>,
      }
      %scan3A_78 = arith.constant 128 : i32
      %mul3A_79 = arith.constant 16384 : i32
      %mul3A_80 = arith.muli %add3A_59, %mul3A_79 : i32
      %add3A_81 = arith.addi %mul3A_2, %mul3A_80 : i32
      %dma_start3A_82 = tpu.memref_slice %arg4[%add3A_81] : memref<16777216xf32, #tpu.memory_space<hbm>> -> memref<16384xf32, #tpu.memory_space<hbm>>
      %dma_start3A_83 = tpu.memref_slice %arg4[%add3A_81] : memref<16777216xf32, #tpu.memory_space<hbm>> -> memref<16384xf32, #tpu.memory_space<hbm>>
      tpu.enqueue_dma source(%arg10 : memref<16384xf32, #tpu.memory_space<vmem>>) target(%dma_start3A_83 : memref<16384xf32, #tpu.memory_space<hbm>>) target_semaphore(%arg16 : memref<!tpu.dma_semaphore, #tpu.memory_space<semaphore_mem>>)
      %lt3A_84 = arith.constant 15 : i32
      %lt3A_85 = arith.cmpi slt, %scan3A_26, %lt3A_84 : i32
      %convert_element_type3A_86 = arith.extui %lt3A_85 : i1 to i32
      %cond3A_87 = arith.constant 0 : i32
      %cond3A_88 = arith.cmpi ne, %convert_element_type3A_86, %cond3A_87 : i32
      scf.if %cond3A_88 {
        %add3A_89 = arith.constant 2 : i32
        %add3A_90 = arith.addi %add3A_59, %add3A_89 : i32
        %mul3A_91 = arith.constant 16384 : i32
        %mul3A_92 = arith.muli %add3A_90, %mul3A_91 : i32
        %add3A_93 = arith.addi %mul3A_2, %mul3A_92 : i32
        %dma_start3A_94 = tpu.memref_slice %arg2[%add3A_93] : memref<16777216xf32, #tpu.memory_space<hbm>> -> memref<16384xf32, #tpu.memory_space<hbm>>
        %dma_start3A_95 = tpu.memref_slice %arg2[%add3A_93] : memref<16777216xf32, #tpu.memory_space<hbm>> -> memref<16384xf32, #tpu.memory_space<hbm>>
        tpu.enqueue_dma source(%dma_start3A_95 : memref<16384xf32, #tpu.memory_space<hbm>>) target(%arg6 : memref<16384xf32, #tpu.memory_space<vmem>>) target_semaphore(%arg12 : memref<!tpu.dma_semaphore, #tpu.memory_space<semaphore_mem>>)
        %dma_start3A_96 = tpu.memref_slice %arg3[%add3A_93] : memref<16777216xf32, #tpu.memory_space<hbm>> -> memref<16384xf32, #tpu.memory_space<hbm>>
        %dma_start3A_97 = tpu.memref_slice %arg3[%add3A_93] : memref<16777216xf32, #tpu.memory_space<hbm>> -> memref<16384xf32, #tpu.memory_space<hbm>>
        tpu.enqueue_dma source(%dma_start3A_97 : memref<16384xf32, #tpu.memory_space<hbm>>) target(%arg8 : memref<16384xf32, #tpu.memory_space<vmem>>) target_semaphore(%arg14 : memref<!tpu.dma_semaphore, #tpu.memory_space<semaphore_mem>>)
      } else {
      }
    }
    %scan3A_18 = arith.constant 16 : i32
    %dma_wait3A = arith.constant 0 : i32
    %dma_wait3A_19 = tpu.memref_slice %arg4[%dma_wait3A] : memref<16777216xf32, #tpu.memory_space<hbm>> -> memref<16384xf32, #tpu.memory_space<hbm>>
    %dma_wait3A_20 = arith.constant 0 : i32
    %dma_wait3A_21 = tpu.memref_slice %arg4[%dma_wait3A_20] : memref<16777216xf32, #tpu.memory_space<hbm>> -> memref<16384xf32, #tpu.memory_space<hbm>>
    tpu.wait_dma2 semaphore(%arg15 : memref<!tpu.dma_semaphore, #tpu.memory_space<semaphore_mem>>) src(%arg9 : memref<16384xf32, #tpu.memory_space<vmem>>) dst(%dma_wait3A_21 : memref<16384xf32, #tpu.memory_space<hbm>>)
    %dma_wait3A_22 = arith.constant 0 : i32
    %dma_wait3A_23 = tpu.memref_slice %arg4[%dma_wait3A_22] : memref<16777216xf32, #tpu.memory_space<hbm>> -> memref<16384xf32, #tpu.memory_space<hbm>>
    %dma_wait3A_24 = arith.constant 0 : i32
    %dma_wait3A_25 = tpu.memref_slice %arg4[%dma_wait3A_24] : memref<16777216xf32, #tpu.memory_space<hbm>> -> memref<16384xf32, #tpu.memory_space<hbm>>
    tpu.wait_dma2 semaphore(%arg16 : memref<!tpu.dma_semaphore, #tpu.memory_space<semaphore_mem>>) src(%arg10 : memref<16384xf32, #tpu.memory_space<vmem>>) dst(%dma_wait3A_25 : memref<16384xf32, #tpu.memory_space<hbm>>)
    return
  }
}

</mosaic_0001>

<sc_bundles>
// kernel: kernel.3.cloned.1.call-start
scs
__scs_entry_jumppad:
0x0: {  	(pc) =	sbr.rel $0x88, $3  }
0x1: {  	(tag) =	ssettag $0x0;
	lr =	simm.s32 $0x1  }
0x2: {  	[smem:$0x3F9F] =	sst lr;
	_ =	strace $0xD0000000  }
0x3: {  	_ = 	snop  }
0x4: {  	_ = 	snop  }
0x5: {  	_ = 	snop  }
0x6: {  	_ = 	snop  }
0x7: {  	_ = 	snop  }
__scs_overlays_trampoline_lowered:
0x8: {  	[smem:$0x3FAE] =	sst s0  }
0x9: {  	[smem:$0x3FAF] =	sst s1  }
0xa: {  	[smem:$0x3FB0] =	sst s2  }
0xb: {  	[smem:$0x3FB1] =	sst s3  }
0xc: {  	[smem:$0x3FB2] =	sst s4  }
0xd: {  	[smem:$0x3FB3] =	sst s5  }
0xe: {  	[smem:$0x3FB4] =	sst s6  }
0xf: {  	[smem:$0x3FB5] =	sst s7  }
0x10: {  	[smem:$0x3FB6] =	sst s8  }
0x11: {  	[smem:$0x3FB7] =	sst s9;
	s0 =	simm.s32 @!p0 $0x0  }
0x12: {  	s1 =	sld [smem:$0x3F9D];
	s0 =	simm.s32 @p0 $0x1  }
0x13: {  	[smem:$0x3FB8] =	sst s0;
	s0 =	simm.s32 @!p1 $0x0  }
0x14: {  	s2 =	sld [smem:$0x3F9C];
	s0 =	simm.s32 @p1 $0x1  }
0x15: {  	[smem:$0x3FB9] =	sst s0;
	s0 =	simm.s32 @!p2 $0x0  }
0x16: {  	s3 =	sld [smem:$0x3FDB];
	s0 =	simm.s32 @p2 $0x1  }
0x17: {  	s4 =	simm.s32 $0x1BF5;
	[smem:$0x3FBB] =	sst s0  }
0x18: {  	s0 =	sld [smem:$0x3F9E];
	_ =	swait.ge [sflag:s4], $0x0  }
0x19: {  	s7 =	sld [smem:$0x3F9F]  }
0x1a: {  	s8 =	sadd.s32 $0xFFFFE003, lr  }
0x1b: {  	s9 =	sadd.s32 $0xFFFFFEF7, lr;
	s5 =	simm.s32 $0xFFFFFFFF;
	p2 =	slt.u32 s8, $0xFFFFF086  }
0x1c: {  	p1 =	slt.u32 s9, $0xF7A;
	s5 =	simm.s32 @!p2 $0x0  }
0x1d: {  	s5 =	simm.s32 @p1 $0x1;
	p0 =	seq.s32 s7, s2  }
0x1e: {  	s7 =	smul.u32 @!p0 $0xF7A, s2;
	p2 =	seq.s32 @!p0 s5, $0x0  }
0x1f: {  	s9 =	smul.u32 $0xF7A, s1;
	s8 =	simm.s32 @!p0 $0x1BF5;
	p2 =	por !p2, p0  }
0x20: {  	[sflag:s8] =	ssyncset.s32 @!p0 $0xFFFFF086;
	s6 =	sadd.s32 @!p0 s3, s7;
	s7 =	simm.s32 @!p0 $0x108  }
0x21: {  	s3 =	sadd.s32 s3, s9;
	s6 =	sadd.s32 @!p0 $0x88, s6;
	s7 =	simm.s32 @p2 $0x1082  }
0x22: {  	[simem:s7], [sflag:s8] =	dma.local @!p0 [hbm:s6], $0xF7A  }
0x23: {  	s9 =	sor.u32 $0xD0000000, s2;
	s6 =	simm.s32 $0x108;
	_ =	swait.ge @!p0 [sflag:s8], $0x0  }
0x24: {  	s3 =	sadd.s32 $0x88, s3;
	s6 =	simm.s32 @!p1 $0x1082;
	[sflag:s4] =	ssyncset.s32 $0xFFFFF086  }
0x25: {  	[simem:s6], [sflag:s4] =	dma.local [hbm:s3], $0xF7A  }
0x26: {  	[smem:$0x3F9F] =	sst s1;
	(tag) =	ssettag s2;
	_ =	strace s9  }
0x27: {  	s1 =	sld [smem:$0x3FAF]  }
0x28: {  	s2 =	sld [smem:$0x3FB0]  }
0x29: {  	s4 =	sld [smem:$0x3FB2]  }
0x2a: {  	p0 =	seq.s32 s5, $0x0;
	s5 =	sld [smem:$0x3FB3]  }
0x2b: {  	s6 =	sld [smem:$0x3FB4]  }
0x2c: {  	s7 =	sld [smem:$0x3FB5]  }
0x2d: {  	s3 =	simm.s32 $0x108;
	s8 =	sld [smem:$0x3FB6]  }
0x2e: {  	s3 =	simm.s32 @!p0 $0x1082;
	s9 =	sld [smem:$0x3FB7]  }
0x2f: {  	lr =	sadd.s32 s0, s3;
	s0 =	sld [smem:$0x3FAE]  }
0x30: {  	s3 =	sld [smem:$0x3FB1]  }
0x31: {  	[smem:$0x3FBA] =	sst s10  }
0x32: {  	s10 =	sld [smem:$0x3FB8];
	_ =	sdelay $0x3  }
0x33: {  	p0 =	seq.s32 s10, $0x1;
	s10 =	sld [smem:$0x3FBA];
	_ =	sdelay $0x3  }
0x34: {  	[smem:$0x3FBA] =	sst s10  }
0x35: {  	s10 =	sld [smem:$0x3FB9];
	_ =	sdelay $0x3  }
0x36: {  	p1 =	seq.s32 s10, $0x1;
	s10 =	sld [smem:$0x3FBA];
	_ =	sdelay $0x3  }
0x37: {  	[smem:$0x3FBA] =	sst s10  }
0x38: {  	s10 =	sld [smem:$0x3FBB]  }
0x39: {  	_ = 	snop;
	(pc) =	sbr.ind lr, $3  }
0x3a: {  	_ = 	snop  }
0x3b: {  	_ = 	snop  }
0x3c: {  	p2 =	seq.s32 s10, $0x1;
	s10 =	sld [smem:$0x3FBA]  }
0x3d: {  	_ =	shalt  }
0x3e: {  	_ =	shalt  }
0x3f: {  	_ =	shalt  }
0x40: {  	_ =	shalt  }
0x41: {  	_ =	shalt  }
0x42: {  	_ =	shalt  }
0x43: {  	_ =	shalt  }
0x44: {  	_ =	shalt  }
0x45: {  	_ =	shalt  }
0x46: {  	_ =	shalt  }
0x47: {  	_ =	shalt  }
0x48: {  	_ =	shalt  }
0x49: {  	_ =	shalt  }
0x4a: {  	_ =	shalt  }
0x4b: {  	_ =	shalt  }
0x4c: {  	_ =	shalt  }
0x4d: {  	_ =	shalt  }
0x4e: {  	_ =	shalt  }
0x4f: {  	_ =	shalt  }
0x50: {  	_ =	shalt  }
0x51: {  	_ =	shalt  }
0x52: {  	_ =	shalt  }
0x53: {  	_ =	shalt  }
0x54: {  	_ =	shalt  }
0x55: {  	_ =	shalt  }
0x56: {  	_ =	shalt  }
0x57: {  	_ =	shalt  }
0x58: {  	_ =	shalt  }
0x59: {  	_ =	shalt  }
0x5a: {  	_ =	shalt  }
0x5b: {  	_ =	shalt  }
0x5c: {  	_ =	shalt  }
0x5d: {  	_ =	shalt  }
0x5e: {  	_ =	shalt  }
0x5f: {  	_ =	shalt  }
0x60: {  	_ =	shalt  }
0x61: {  	_ =	shalt  }
0x62: {  	_ =	shalt  }
0x63: {  	_ =	shalt  }
0x64: {  	_ =	shalt  }
0x65: {  	_ =	shalt  }
0x66: {  	_ =	shalt  }
0x67: {  	_ =	shalt  }
0x68: {  	_ =	shalt  }
0x69: {  	_ =	shalt  }
0x6a: {  	_ =	shalt  }
0x6b: {  	_ =	shalt  }
0x6c: {  	_ =	shalt  }
0x6d: {  	_ =	shalt  }
0x6e: {  	_ =	shalt  }
0x6f: {  	_ =	shalt  }
0x70: {  	_ =	shalt  }
0x71: {  	_ =	shalt  }
0x72: {  	_ =	shalt  }
0x73: {  	_ =	shalt  }
0x74: {  	_ =	shalt  }
0x75: {  	_ =	shalt  }
0x76: {  	_ =	shalt  }
0x77: {  	_ =	shalt  }
0x78: {  	_ =	shalt  }
0x79: {  	_ =	shalt  }
0x7a: {  	_ =	shalt  }
0x7b: {  	_ =	shalt  }
0x7c: {  	_ =	shalt  }
0x7d: {  	_ =	shalt  }
0x7e: {  	_ =	shalt  }
0x7f: {  	_ =	shalt  }
0x80: {  	_ =	shalt  }
0x81: {  	_ =	shalt  }
0x82: {  	_ =	shalt  }
0x83: {  	_ =	shalt  }
0x84: {  	_ =	shalt  }
0x85: {  	_ =	shalt  }
0x86: {  	_ =	shalt  }
0x87: {  	_ =	shalt  }
.Lfunc_end0:
.L_simem_size_0:
called_computation_lowered:
.L_overlay_start_0:
0x88: {  	s2 =	sld [smem:$0x3FD9]  }
0x89: {  	s3 =	sld [smem:$0x3FFE];
	_ =	sdelay $0x1  }
0x8a: {  	s1 =	srdreg.scid  }
0x8b: {  	s0 =	sand.u32 $0x1, s1  }
0x8c: {  	s18 =	sshll.u32 s0, $0xA;
	s2 =	sadd.s32 s3, s2  }
0x8d: {  	s2 =	sadd.s32 s2, s18  }
0x8e: {  	[smem:$0x3FC6] =	sst s2  }
0x8f: {  	_ = 	snop  }
0x90: {  	s2 =	sld [smem:$0x3FC9]  }
0x91: {  	s19 =	sld [smem:$0x3FC8]  }
0x92: {  	s4 =	sld [smem:$0x3FD0];
	(tm) =	ssettm $0x1  }
0x93: {  	s5 =	sld [smem:$0x3FFB];
	_ =	sdelay $0x3  }
0x94: {  	_ =	strace s5  }
0x95: {  	s5 =	sld [smem:$0x3FFC];
	_ =	sdelay $0x3  }
0x96: {  	_ =	strace s5  }
0x97: {  	s5 =	sld [smem:$0x3FFD];
	_ =	sdelay $0x3  }
0x98: {  	_ =	strace s5  }
0x99: {  	_ =	strace $0x8FFFFFFF  }
0x9a: {  	s20 =	sld [smem:$0x3FDB];
	_ =	sdelay $0x1  }
0x9b: {  	s6 =	simm.s32 $_scs_section_size  }
0x9c: {  	s7 =	simm.s32 $_size__tile_overlayer_lowered;
	s8 =	simm.s32 $_tile_overlayer_lowered  }
0x9d: {  	s23 =	simm.s32 $0x1BFF;
	s22 =	sshll.u32 s8, $0x1;
	s5 =	sadd.s32 s6, s20  }
0x9e: {  	s9 =	simm.s32 $0x0;
	s21 =	sshll.u32 s7, $0x1;
	s7 =	sadd.s32 s22, s5  }
0x9f: {  	[timem:s9], [sflag:s23] =	dma.local [hbm:s7], s21  }
0xa0: {  	_ =	swait.ge [sflag:s23], s21  }
0xa1: {  	s6 =	ssub.s32 $0x0, s21;
	[sflag:s23] =	ssyncset.done $0x0  }
0xa2: {  	[sflag:s23] =	ssyncadd.s32 s6;
	_ =	sdelay $0x1  }
0xa3: {  	s24 =	simm.s32 $0x1B8B  }
0xa4: {  	_ =	swait.ge [sflag:s24], $0x1  }
0xa5: {  	[sflag:s24] =	ssyncset.done $0x0  }
0xa6: {  	s25 =	simm.s32 $0x1B8E;
	[sflag:s24] =	ssyncadd.s32 $0xFFFFFFFF  }
0xa7: {  	s26 =	simm.s32 $execute0_lowered;
	[smem:$0x3FD2] =	sst s25  }
0xa8: {  	s6 =	sshll.u32 s26, $0x1;
	_ =	strace $0x80000046;
	[dreg:$0x1] =	wrdreg $0xFFFFFFFF  }
0xa9: {  	s28 =	simm.s32 $_size_execute0_lowered;
	s5 =	sadd.s32 s5, s6;
	[dreg:$0x0] =	wrdreg $0x0  }
0xaa: {  	s6 =	sshll.u32 s28, $0x1;
	[dreg:$0x2] =	wrdreg s5  }
0xab: {  	[dreg:$0x3] =	wrdreg s6  }
0xac: {  	[dreg:$0x4] =	wrdreg $0xC0  }
0xad: {  	_ =	task [dreg:s9], $0x5FFFF  }
0xae: {  	[dreg:$0x1] =	wrdreg $0xFFFFFFFF  }
0xaf: {  	[dreg:$0x0] =	wrdreg $0x60  }
0xb0: {  	[dreg:$0x2] =	wrdreg s2  }
0xb1: {  	[dreg:$0x3] =	wrdreg s19  }
0xb2: {  	[dreg:$0x4] =	wrdreg s4  }
0xb3: {  	[dreg:$0x5] =	wrdreg $0x9  }
0xb4: {  	_ =	task.clear_ibuf [dreg:s9], $0x6FFFF;
	_ =	strace $0x90000046  }
0xb5: {  	s29 =	simm.s32 $0x9;
	_ =	strace $0x80000048  }
0xb6: {  	_ =	swait.ge [sflag:s29], $0x1  }
0xb7: {  	[sflag:s29] =	ssyncadd.s32 $0xFFFFFFFF  }
0xb8: {  	_ =	strace $0x90000048  }
0xb9: {  	_ =	sfence  }
0xba: {  	s30 =	sld [smem:$0x0];
	_ =	sdelay $0x2  }
0xbb: {  	s31 =	sshll.u32 s1, $0xD;
	s1 =	sshrl.u32 s1, $0x2  }
0xbc: {  	s3 =	sand.u32 $0x4000, s31;
	s1 =	sadd.s32 s1, s30  }
0xbd: {  	s0 =	sor.u32 s3, s0;
	s1 =	sshll.u32 s1, $0x11  }
0xbe: {  	s0 =	sor.u32 s1, s0  }
0xbf: {  	s0 =	sadd.s32 $0x8F2B, s0  }
0xc0: {  	[sflag:s0] =	ssyncadd.remote.s32 $0x1  }
0xc1: {  	_ =	sfence.sel $0xFFFF  }
0xc2: {  	[dreg:$0x0] =	wrdreg $0xFFFFFFFF;
	(pc) =	sbr.abs _section_cstart, $3  }
0xc3: {  	[dreg:$0x1] =	wrdreg $0xFFFFFFFF  }
0xc4: {  	_ =	task.clear_ibuf [dreg:s9], $0x2FFFF;
	_ =	strace $0x9FFFFFFF  }
0xc5: {  	(tm) =	ssettm $0x7FFFFFFF  }
tec
execute0_lowered:
.L_overlay_start_1:
0x0: {  	(tag) =	ssettag $0x1  }
0x1: {  	s1 =	rddreg [dreg:$0x0]  }
0x2: {  	s3 =	rddreg [dreg:$0x1]  }
0x3: {  	s4 =	rddreg [dreg:$0x2];
	s0 =	srdreg.scid  }
0x4: {  	s2 =	stileid.u32;
	s5 =	simm.s32 $0x0;
	s14 =	simm.s32 $0x8000  }
0x5: {  	s15 =	simm.s32 $0x4000;
	s16 =	simm.s32 $0xC000;
	s17 =	simm.s32 $0x1  }
0x6: {  	s18 =	simm.s32 $0x3;
	s19 =	simm.s32 $0x10000;
	s20 =	simm.s32 $0x2  }
0x7: {  	s21 =	simm.s32 $0x4;
	s22 =	simm.s32 $0x14000;
	s23 =	simm.s32 $0x5  }
0x8: {  	s24 =	simm.s32 $0x6;
	s25 =	simm.s32 $0x0;
	s0 =	sand.u32 $0x1, s0  }
0x9: {  	s2 =	sshll.u32 s2, $0x14;
	[smem:$0x7FF] =	sst s5;
	s6 =	sshll.u32 s0, $0x13  }
.Ltmp0:
0xa: {  	s0 =	ssub.s32 $0x2, s0;
	s6 =	sor.u32 s6, s2;
	(pc) =	sbr.rel .LBB2_1-.Ltmp0, $4  }
0xb: {  	_ =	strace $0x80000047;
	s30 =	sshrl.u32 s0, $0x1;
	s8 =	sshrl.u32 s6, $0x3  }
0xc: {  	s0 =	ssub.s32 s0, s30;
	s11 =	sor.u32 $0x8000, s6;
	s12 =	sor.u32 $0xC000, s6  }
0xd: {  	s7 =	sadd.s32 s1, s8;
	s31 =	sor.u32 $0x800, s8;
	s8 =	sadd.s32 s3, s8  }
0xe: {  	s13 =	smax.u32 s0, $0x1;
	s9 =	sadd.s32 s1, s31;
	s10 =	sadd.s32 s3, s31  }
.LBB2_8:
0xf: {  	s25 =	sadd.s32 $0x1, s25  }
0x10: {  	_ =	swait.ge [sflag:s23], $0x4000;
	p0 =	sne.s32 s25, s13  }
.Ltmp1:
0x11: {  	[sflag:s23] =	ssyncset.done $0x0;
	(pc) =	sbr.rel @!p0 .LBB2_9-.Ltmp1, $4  }
0x12: {  	[sflag:s23] =	ssyncadd.s32 $0xFFFFC000  }
0x13: {  	_ =	swait.ge [sflag:s24], $0x4000  }
0x14: {  	[sflag:s24] =	ssyncset.done $0x0  }
0x15: {  	[sflag:s24] =	ssyncadd.s32 $0xFFFFC000  }
.LBB2_1:
0x16: {  	[tilespmem:s5], [sflag:$0x1] =	stream.linear.gather [hbm4b:s7+s5], $0x4000, $0x38;
	[tilespmem:$0x18000] =	vst v63  }
0x17: {  	_ = 	snop  }
0x18: {  	[tilespmem:s14], [sflag:$0x3] =	stream.linear.gather [hbm4b:s8+s5], $0x4000, $0x38;
	[tilespmem:$0x18000] =	vst v63  }
0x19: {  	_ = 	snop  }
0x1a: {  	[tilespmem:s15], [sflag:$0x2] =	stream.linear.gather [hbm4b:s9+s5], $0x4000, $0x38;
	[tilespmem:$0x18000] =	vst v63  }
0x1b: {  	s26 =	simm.s32 $0x0  }
0x1c: {  	[tilespmem:s16], [sflag:$0x4] =	stream.linear.gather [hbm4b:s10+s5], $0x4000, $0x38;
	[tilespmem:$0x18000] =	vst v63  }
.LBB2_2:
0x1d: {  	_ =	swait.ge [sflag:s17], $0x4000  }
0x1e: {  	[sflag:s17] =	ssyncset.done $0x0  }
0x1f: {  	[sflag:s17] =	ssyncadd.s32 $0xFFFFC000  }
0x20: {  	_ =	swait.ge [sflag:s18], $0x4000  }
0x21: {  	p0 =	seq.s32 s26, $0x0;
	[sflag:s18] =	ssyncset.done $0x0  }
0x22: {  	s0 =	simm.s32 @!p0 $0x5;
	[sflag:s18] =	ssyncadd.s32 $0xFFFFC000  }
0x23: {  	_ =	swait.ge @!p0 [sflag:s0], $0x4000  }
0x24: {  	[sflag:s0] =	ssyncset.done @!p0 $0x0  }
0x25: {  	s30 =	simm.s32 $0x0;
	[sflag:s0] =	ssyncadd.s32 @!p0 $0xFFFFC000  }
0x26: {  	v0 =	vld [tilespmem:s30+$0x8070];
	_ =	sdelay $0x1  }
0x27: {  	v1 =	vld [tilespmem:s30+$0x8000];
	_ =	sdelay $0x2  }
0x28: {  	v2 =	vld [tilespmem:s30+$0x8010];
	vm0 =	veq.f32 v0, $0.0e+00  }
0x29: {  	v0 =	vsel vm0, $0x7F800000, v0  }
0x2a: {  	v3 =	vld [tilespmem:s30+$0x8020];
	vm14 =	veq.f32 v1, $0.0e+00;
	(erf) = vrcp.f32 v0  }
0x2b: {  	v1 =	vsel vm14, $0x7F800000, v1  }
0x2c: {  	v4 =	vld [tilespmem:s30+$0x8030];
	(erf) = vrcp.f32 v1  }
0x2d: {  	v5 =	vld [tilespmem:s30+$0x8040];
	vm15 =	veq.f32 v2, $0.0e+00  }
0x2e: {  	v6 =	vld [tilespmem:s30+$0x8050];
	v2 =	vsel vm15, $0x7F800000, v2  }
0x2f: {  	vm4 =	veq.f32 v3, $0.0e+00;
	(erf) = vrcp.f32 v2;
	v2 =	vld [tilespmem:s30+$0x70]  }
0x30: {  	v7 =	vld [tilespmem:s30+$0x8060];
	v3 =	vsel vm4, $0x7F800000, v3  }
0x31: {  	v0 =	vld [tilespmem:s30+$0x0];
	(erf) = vrcp.f32 v3  }
0x32: {  	v8 =	vld [tilespmem:s30+$0x10];
	vm5 =	veq.f32 v4, $0.0e+00;
	vm6 =	veq.f32 v5, $0.0e+00  }
0x33: {  	s29 =	simm.s32 $0x80;
	v9 =	vld [tilespmem:s30+$0x30];
	v3 =	vsel vm5, $0x7F800000, v4;
	v4 =	vsel vm6, $0x7F800000, v5;
	v5 =	vpop (erf)  }
0x34: {  	v13 =	vld [tilespmem:s29+$0x8000];
	(erf) = vrcp.f32 v3;
	v2 =	vmul.f32 v5, v2  }
0x35: {  	v14 =	vld [tilespmem:s29+$0x8020];
	(erf) = vrcp.f32 v4;
	v5 =	vpop (erf)  }
0x36: {  	v1 =	vld [tilespmem:s30+$0x20];
	v0 =	vmul.f32 v5, v0  }
0x37: {  	v3 =	vld [tilespmem:s29+$0x8070]  }
0x38: {  	v4 =	vld [tilespmem:s29+$0x8010];
	[tilespmem:s30+$0x10070] =	vst v2;
	v2 =	vpop (erf)  }
0x39: {  	v10 =	vld [tilespmem:s30+$0x40];
	v2 =	vmul.f32 v2, v8  }
0x3a: {  	vm7 =	veq.f32 v6, $0.0e+00;
	v15 =	vld [tilespmem:s29+$0x8030];
	[tilespmem:s30+$0x10000] =	vst v0;
	v0 =	vpop (erf)  }
0x3b: {  	v0 =	vmul.f32 v0, v1;
	v1 =	vsel vm7, $0x7F800000, v6  }
0x3c: {  	vm8 =	veq.f32 v7, $0.0e+00;
	v8 =	vld [tilespmem:s29+$0x8040];
	[tilespmem:s30+$0x10010] =	vst v2;
	(erf) = vrcp.f32 v1  }
0x3d: {  	v6 =	vld [tilespmem:s29+$0x8050];
	[tilespmem:s30+$0x10020] =	vst v0;
	v0 =	vsel vm8, $0x7F800000, v7;
	v2 =	vpop (erf)  }
0x3e: {  	(erf) = vrcp.f32 v0;
	v1 =	vmul.f32 v2, v9;
	v2 =	vpop (erf)  }
0x3f: {  	v11 =	vld [tilespmem:s30+$0x50];
	vm9 =	veq.f32 v3, $0.0e+00;
	v0 =	vmul.f32 v2, v10  }
0x40: {  	vm1 =	veq.f32 v13, $0.0e+00;
	vm11 =	veq.f32 v14, $0.0e+00;
	v9 =	vld [tilespmem:s29+$0x8060];
	[tilespmem:s30+$0x10030] =	vst v1;
	v1 =	vsel vm9, $0x7F800000, v3  }
0x41: {  	vm10 =	veq.f32 v4, $0.0e+00;
	v2 =	vld [tilespmem:s29+$0x0];
	[tilespmem:s30+$0x10040] =	vst v0;
	v0 =	vsel vm1, $0x7F800000, v13;
	(erf) = vrcp.f32 v1  }
0x42: {  	v12 =	vld [tilespmem:s30+$0x60];
	v1 =	vsel vm10, $0x7F800000, v4;
	(erf) = vrcp.f32 v0;
	v0 =	vsel vm11, $0x7F800000, v14  }
0x43: {  	vm12 =	veq.f32 v15, $0.0e+00;
	vm13 =	veq.f32 v8, $0.0e+00;
	v5 =	vld [tilespmem:s29+$0x10];
	(erf) = vrcp.f32 v1  }
0x44: {  	v8 =	vsel vm13, $0x7F800000, v8;
	v4 =	vld [tilespmem:s29+$0x20];
	v1 =	vsel vm12, $0x7F800000, v15;
	(erf) = vrcp.f32 v0  }
0x45: {  	vm14 =	veq.f32 v6, $0.0e+00;
	v3 =	vld [tilespmem:s29+$0x30];
	v0 =	vpop (erf);
	(erf) = vrcp.f32 v1  }
0x46: {  	v7 =	vld [tilespmem:s29+$0x70];
	vm15 =	veq.f32 v9, $0.0e+00;
	v1 =	vsel vm14, $0x7F800000, v6;
	(erf) = vrcp.f32 v8  }
0x47: {  	v9 =	vsel vm15, $0x7F800000, v9;
	v6 =	vld [tilespmem:s29+$0x40];
	v10 =	vmul.f32 v0, v11;
	v8 =	vpop (erf);
	(erf) = vrcp.f32 v1  }
0x48: {  	v0 =	vld [tilespmem:s29+$0x50];
	v8 =	vmul.f32 v8, v12;
	(erf) = vrcp.f32 v9  }
0x49: {  	s28 =	sshll.u32 s26, $0xF;
	s31 =	simm.s32 $0x100;
	s0 =	simm.s32 $0x600;
	v1 =	vld [tilespmem:s29+$0x60];
	[tilespmem:s30+$0x10050] =	vst v10  }
.LBB2_3:
0x4a: {  	p1 =	sne.s32 s0, $0xFE00;
	v9 =	vld [tilespmem:s31+$0x8070];
	v10 =	vpop (erf);
	[tilespmem:s30+$0x10060] =	vst v8;
	s30 =	smov.u32 s29;
	s29 =	smov.u32 s31  }
0x4b: {  	v8 =	vld [tilespmem:s29+$0x8000];
	v13 =	vmul.f32 v10, v7;
	v10 =	vpop (erf)  }
0x4c: {  	v11 =	vld [tilespmem:s29+$0x8010];
	v2 =	vmul.f32 v10, v2;
	v10 =	vpop (erf)  }
0x4d: {  	v12 =	vld [tilespmem:s29+$0x8020];
	v5 =	vmul.f32 v10, v5;
	[tilespmem:s30+$0x10070] =	vst v13;
	v7 =	vpop (erf)  }
0x4e: {  	v10 =	vld [tilespmem:s29+$0x8030];
	[tilespmem:s30+$0x10000] =	vst v2;
	v2 =	vmul.f32 v7, v4;
	v4 =	vpop (erf)  }
0x4f: {  	v7 =	vld [tilespmem:s29+$0x8040];
	vm0 =	veq.f32 v9, $0.0e+00;
	[tilespmem:s30+$0x10010] =	vst v5;
	v3 =	vmul.f32 v4, v3;
	v4 =	vpop (erf)  }
0x50: {  	vm1 =	veq.f32 v8, $0.0e+00;
	v13 =	vld [tilespmem:s29+$0x8050];
	v5 =	vsel vm0, $0x7F800000, v9;
	[tilespmem:s30+$0x10020] =	vst v2;
	v4 =	vmul.f32 v4, v6;
	v9 =	vpop (erf)  }
0x51: {  	v6 =	vsel vm1, $0x7F800000, v8;
	vm0 =	veq.f32 v11, $0.0e+00;
	v8 =	vld [tilespmem:s29+$0x8060];
	(erf) = vrcp.f32 v5;
	[tilespmem:s30+$0x10030] =	vst v3;
	v14 =	vpop (erf)  }
0x52: {  	v2 =	vld [tilespmem:s29+$0x0];
	v3 =	vsel vm0, $0x7F800000, v11;
	vm0 =	veq.f32 v12, $0.0e+00;
	(erf) = vrcp.f32 v6;
	[tilespmem:s30+$0x10040] =	vst v4  }
0x53: {  	v5 =	vld [tilespmem:s29+$0x10];
	v6 =	vsel vm0, $0x7F800000, v12;
	vm0 =	veq.f32 v10, $0.0e+00;
	(erf) = vrcp.f32 v3  }
0x54: {  	v4 =	vld [tilespmem:s29+$0x20];
	v10 =	vsel vm0, $0x7F800000, v10;
	vm0 =	veq.f32 v7, $0.0e+00;
	(erf) = vrcp.f32 v6  }
.Ltmp2:
0x55: {  	v3 =	vld [tilespmem:s29+$0x30];
	v6 =	vsel vm0, $0x7F800000, v7;
	vm0 =	veq.f32 v13, $0.0e+00;
	(erf) = vrcp.f32 v10;
	(pc) =	sbr.rel @p1 .LBB2_3-.Ltmp2, $4  }
0x56: {  	v10 =	vsel vm0, $0x7F800000, v13;
	vm0 =	veq.f32 v8, $0.0e+00;
	v7 =	vld [tilespmem:s29+$0x70];
	(erf) = vrcp.f32 v6  }
0x57: {  	v9 =	vmul.f32 v9, v0;
	v6 =	vld [tilespmem:s29+$0x40];
	v8 =	vsel vm0, $0x7F800000, v8;
	(erf) = vrcp.f32 v10  }
0x58: {  	v0 =	vld [tilespmem:s29+$0x50];
	(erf) = vrcp.f32 v8;
	v8 =	vmul.f32 v14, v1  }
0x59: {  	s31 =	sshra.s32 s0, $0x2;
	s0 =	sadd.s32 $0x200, s0;
	v1 =	vld [tilespmem:s29+$0x60];
	[tilespmem:s30+$0x10050] =	vst v9  }
0x5a: {  	v9 =	vld [tilespmem:s31+$0x8070];
	[tilespmem:s30+$0x10060] =	vst v8;
	v8 =	vpop (erf)  }
0x5b: {  	v7 =	vmul.f32 v8, v7;
	v11 =	vpop (erf)  }
0x5c: {  	v2 =	vmul.f32 v11, v2  }
0x5d: {  	v10 =	vld [tilespmem:s31+$0x8000]  }
0x5e: {  	v8 =	vld [tilespmem:s31+$0x8010]  }
0x5f: {  	v12 =	vld [tilespmem:s31+$0x8020];
	[tilespmem:s29+$0x10070] =	vst v7;
	v7 =	vpop (erf)  }
0x60: {  	v11 =	vld [tilespmem:s31+$0x8030];
	[tilespmem:s29+$0x10000] =	vst v2;
	v5 =	vmul.f32 v7, v5;
	v2 =	vpop (erf)  }
0x61: {  	v2 =	vmul.f32 v2, v4  }
0x62: {  	v7 =	vld [tilespmem:s31+$0x8040];
	v4 =	vpop (erf);
	[tilespmem:s29+$0x10010] =	vst v5  }
0x63: {  	vm0 =	veq.f32 v9, $0.0e+00;
	v3 =	vmul.f32 v4, v3;
	v4 =	vpop (erf);
	v5 =	vld [tilespmem:s31+$0x8050];
	[tilespmem:s29+$0x10020] =	vst v2  }
0x64: {  	vm1 =	veq.f32 v10, $0.0e+00;
	v2 =	vsel vm0, $0x7F800000, v9;
	v4 =	vmul.f32 v4, v6;
	v6 =	vld [tilespmem:s31+$0x8060]  }
0x65: {  	vm6 =	veq.f32 v8, $0.0e+00;
	v9 =	vsel vm1, $0x7F800000, v10;
	(erf) = vrcp.f32 v2  }
0x66: {  	vm7 =	veq.f32 v12, $0.0e+00;
	vm8 =	veq.f32 v11, $0.0e+00;
	[tilespmem:s29+$0x10030] =	vst v3;
	(erf) = vrcp.f32 v9  }
0x67: {  	v3 =	vsel vm6, $0x7F800000, v8;
	v8 =	vsel vm8, $0x7F800000, v11;
	v2 =	vld [tilespmem:s31+$0x0];
	[tilespmem:s29+$0x10040] =	vst v4;
	v4 =	vsel vm7, $0x7F800000, v12  }
0x68: {  	vm9 =	veq.f32 v7, $0.0e+00;
	(erf) = vrcp.f32 v3;
	vm10 =	veq.f32 v5, $0.0e+00  }
0x69: {  	v3 =	vld [tilespmem:s31+$0x10];
	(erf) = vrcp.f32 v4;
	v5 =	vsel vm10, $0x7F800000, v5;
	vm11 =	veq.f32 v6, $0.0e+00  }
0x6a: {  	v7 =	vsel vm9, $0x7F800000, v7;
	(erf) = vrcp.f32 v8;
	v8 =	vld [tilespmem:s31+$0x70];
	v6 =	vsel vm11, $0x7F800000, v6  }
0x6b: {  	v9 =	vld [tilespmem:s31+$0x40];
	(erf) = vrcp.f32 v7  }
0x6c: {  	v4 =	vld [tilespmem:s31+$0x20];
	(erf) = vrcp.f32 v5;
	v5 =	vpop (erf)  }
0x6d: {  	v7 =	vld [tilespmem:s31+$0x30];
	(erf) = vrcp.f32 v6;
	v6 =	vpop (erf);
	v0 =	vmul.f32 v5, v0  }
0x6e: {  	v5 =	vld [tilespmem:s31+$0x50];
	v1 =	vmul.f32 v6, v1;
	v10 =	vpop (erf)  }
0x6f: {  	v6 =	vld [tilespmem:s31+$0x60];
	[tilespmem:s29+$0x10050] =	vst v0;
	v0 =	vmul.f32 v10, v8;
	v8 =	vpop (erf)  }
0x70: {  	[tilespmem:s29+$0x10060] =	vst v1;
	v1 =	vmul.f32 v8, v2;
	_ =	sdelay $0x1  }
0x71: {  	v2 =	vpop (erf)  }
0x72: {  	v2 =	vmul.f32 v2, v3;
	[tilespmem:s31+$0x10070] =	vst v0;
	v0 =	vpop (erf)  }
0x73: {  	[tilespmem:s31+$0x10000] =	vst v1;
	v1 =	vpop (erf)  }
0x74: {  	v1 =	vmul.f32 v1, v7  }
0x75: {  	v0 =	vmul.f32 v0, v4  }
0x76: {  	[tilespmem:s31+$0x10010] =	vst v2;
	v2 =	vpop (erf)  }
0x77: {  	[tilespmem:s31+$0x10020] =	vst v0;
	v0 =	vmul.f32 v2, v9;
	v2 =	vpop (erf)  }
0x78: {  	[tilespmem:s31+$0x10030] =	vst v1;
	v2 =	vmul.f32 v2, v5;
	v1 =	vpop (erf)  }
0x79: {  	s0 =	sor.u32 s6, s28;
	[tilespmem:s31+$0x10040] =	vst v0;
	v0 =	vmul.f32 v1, v6  }
0x7a: {  	s29 =	sshrl.u32 s0, $0x3;
	[tilespmem:s31+$0x10050] =	vst v2  }
0x7b: {  	p1 =	seq.s32 s26, $0xF;
	s0 =	sadd.s32 s4, s29;
	[tilespmem:s31+$0x10060] =	vst v0  }
0x7c: {  	[hbm4b:s0+s5] =	stream.linear.scatter [tilespmem:s19], [sflag:$0x5], $0x4000, $0x38;
	[tilespmem:$0x18000] =	vst v63  }
0x7d: {  	s0 =	sadd.s32 @!p1 s28, s11  }
0x7e: {  	s0 =	sshrl.u32 @!p1 s0, $0x3  }
0x7f: {  	s30 =	simm.s32 @!p1 $0x0;
	s2 =	sadd.s32 @!p1 s1, s0  }
0x80: {  	[tilespmem:s30], [sflag:$0x1] =	stream.linear.gather @!p1 [hbm4b:s2+s30], $0x4000, $0x38;
	[tilespmem:$0x18000] =	vst v63  }
0x81: {  	s0 =	sadd.s32 @!p1 s3, s0;
	s2 =	simm.s32 @!p1 $0x8000  }
0x82: {  	[tilespmem:s2], [sflag:$0x3] =	stream.linear.gather @!p1 [hbm4b:s0+s30], $0x4000, $0x38;
	[tilespmem:$0x18000] =	vst v63  }
0x83: {  	_ =	swait.ge [sflag:s20], $0x4000  }
0x84: {  	[sflag:s20] =	ssyncset.done $0x0  }
0x85: {  	[sflag:s20] =	ssyncadd.s32 $0xFFFFC000  }
0x86: {  	_ =	swait.ge [sflag:s21], $0x4000  }
0x87: {  	[sflag:s21] =	ssyncset.done $0x0  }
0x88: {  	s0 =	simm.s32 @!p0 $0x6;
	[sflag:s21] =	ssyncadd.s32 $0xFFFFC000  }
0x89: {  	_ =	swait.ge @!p0 [sflag:s0], $0x4000  }
0x8a: {  	[sflag:s0] =	ssyncset.done @!p0 $0x0  }
0x8b: {  	s31 =	simm.s32 $0x0;
	[sflag:s0] =	ssyncadd.s32 @!p0 $0xFFFFC000  }
0x8c: {  	v0 =	vld [tilespmem:s31+$0xC070];
	_ =	sdelay $0x1  }
0x8d: {  	v1 =	vld [tilespmem:s31+$0xC000];
	_ =	sdelay $0x2  }
0x8e: {  	v2 =	vld [tilespmem:s31+$0xC010];
	vm12 =	veq.f32 v0, $0.0e+00  }
0x8f: {  	v0 =	vsel vm12, $0x7F800000, v0  }
0x90: {  	v3 =	vld [tilespmem:s31+$0xC020];
	vm13 =	veq.f32 v1, $0.0e+00;
	(erf) = vrcp.f32 v0  }
0x91: {  	v1 =	vsel vm13, $0x7F800000, v1  }
0x92: {  	v4 =	vld [tilespmem:s31+$0xC030];
	(erf) = vrcp.f32 v1  }
0x93: {  	v5 =	vld [tilespmem:s31+$0xC040];
	vm14 =	veq.f32 v2, $0.0e+00  }
0x94: {  	v6 =	vld [tilespmem:s31+$0xC050];
	v2 =	vsel vm14, $0x7F800000, v2  }
0x95: {  	vm15 =	veq.f32 v3, $0.0e+00;
	(erf) = vrcp.f32 v2;
	v2 =	vld [tilespmem:s31+$0x4070]  }
0x96: {  	v7 =	vld [tilespmem:s31+$0xC060];
	v3 =	vsel vm15, $0x7F800000, v3  }
0x97: {  	v0 =	vld [tilespmem:s31+$0x4000];
	(erf) = vrcp.f32 v3  }
0x98: {  	v8 =	vld [tilespmem:s31+$0x4010];
	vm4 =	veq.f32 v4, $0.0e+00;
	vm5 =	veq.f32 v5, $0.0e+00  }
0x99: {  	s30 =	simm.s32 $0x80;
	v9 =	vld [tilespmem:s31+$0x4030];
	v3 =	vsel vm4, $0x7F800000, v4;
	v4 =	vsel vm5, $0x7F800000, v5;
	v5 =	vpop (erf)  }
0x9a: {  	v13 =	vld [tilespmem:s30+$0xC000];
	(erf) = vrcp.f32 v3;
	v2 =	vmul.f32 v5, v2  }
0x9b: {  	v14 =	vld [tilespmem:s30+$0xC020];
	(erf) = vrcp.f32 v4;
	v5 =	vpop (erf)  }
0x9c: {  	v1 =	vld [tilespmem:s31+$0x4020];
	v0 =	vmul.f32 v5, v0  }
0x9d: {  	v3 =	vld [tilespmem:s30+$0xC070]  }
0x9e: {  	v4 =	vld [tilespmem:s30+$0xC010];
	[tilespmem:s31+$0x14070] =	vst v2;
	v2 =	vpop (erf)  }
0x9f: {  	v10 =	vld [tilespmem:s31+$0x4040];
	v2 =	vmul.f32 v2, v8  }
0xa0: {  	vm6 =	veq.f32 v6, $0.0e+00;
	v15 =	vld [tilespmem:s30+$0xC030];
	[tilespmem:s31+$0x14000] =	vst v0;
	v0 =	vpop (erf)  }
0xa1: {  	v0 =	vmul.f32 v0, v1;
	v1 =	vsel vm6, $0x7F800000, v6  }
0xa2: {  	vm7 =	veq.f32 v7, $0.0e+00;
	v8 =	vld [tilespmem:s30+$0xC040];
	[tilespmem:s31+$0x14010] =	vst v2;
	(erf) = vrcp.f32 v1  }
0xa3: {  	v6 =	vld [tilespmem:s30+$0xC050];
	[tilespmem:s31+$0x14020] =	vst v0;
	v0 =	vsel vm7, $0x7F800000, v7;
	v2 =	vpop (erf)  }
0xa4: {  	(erf) = vrcp.f32 v0;
	v1 =	vmul.f32 v2, v9;
	v2 =	vpop (erf)  }
0xa5: {  	v11 =	vld [tilespmem:s31+$0x4050];
	vm8 =	veq.f32 v3, $0.0e+00;
	v0 =	vmul.f32 v2, v10  }
0xa6: {  	vm9 =	veq.f32 v13, $0.0e+00;
	vm11 =	veq.f32 v14, $0.0e+00;
	v9 =	vld [tilespmem:s30+$0xC060];
	[tilespmem:s31+$0x14030] =	vst v1;
	v1 =	vsel vm8, $0x7F800000, v3  }
0xa7: {  	vm10 =	veq.f32 v4, $0.0e+00;
	v2 =	vld [tilespmem:s30+$0x4000];
	[tilespmem:s31+$0x14040] =	vst v0;
	v0 =	vsel vm9, $0x7F800000, v13;
	(erf) = vrcp.f32 v1  }
0xa8: {  	v63 =	vld [tilespmem:s31+$0x4060];
	v1 =	vsel vm10, $0x7F800000, v4;
	(erf) = vrcp.f32 v0;
	v0 =	vsel vm11, $0x7F800000, v14  }
0xa9: {  	vm12 =	veq.f32 v15, $0.0e+00;
	vm13 =	veq.f32 v8, $0.0e+00;
	v5 =	vld [tilespmem:s30+$0x4010];
	(erf) = vrcp.f32 v1  }
0xaa: {  	v8 =	vsel vm13, $0x7F800000, v8;
	v4 =	vld [tilespmem:s30+$0x4020];
	v1 =	vsel vm12, $0x7F800000, v15;
	(erf) = vrcp.f32 v0  }
0xab: {  	vm14 =	veq.f32 v6, $0.0e+00;
	v3 =	vld [tilespmem:s30+$0x4030];
	v0 =	vpop (erf);
	(erf) = vrcp.f32 v1  }
0xac: {  	v7 =	vld [tilespmem:s30+$0x4070];
	vm15 =	veq.f32 v9, $0.0e+00;
	v1 =	vsel vm14, $0x7F800000, v6;
	(erf) = vrcp.f32 v8  }
0xad: {  	v9 =	vsel vm15, $0x7F800000, v9;
	v6 =	vld [tilespmem:s30+$0x4040];
	v10 =	vmul.f32 v0, v11;
	v8 =	vpop (erf);
	(erf) = vrcp.f32 v1  }
0xae: {  	v0 =	vld [tilespmem:s30+$0x4050];
	v8 =	vmul.f32 v8, v63;
	(erf) = vrcp.f32 v9  }
0xaf: {  	s2 =	simm.s32 $0x600;
	s0 =	simm.s32 $0x100;
	v1 =	vld [tilespmem:s30+$0x4060];
	[tilespmem:s31+$0x14050] =	vst v10  }
.LBB2_5:
0xb0: {  	p0 =	sne.s32 s2, $0xFE00;
	v9 =	vld [tilespmem:s0+$0xC070];
	v10 =	vpop (erf);
	[tilespmem:s31+$0x14060] =	vst v8;
	s31 =	smov.u32 s30;
	s30 =	smov.u32 s0  }
0xb1: {  	v8 =	vld [tilespmem:s30+$0xC000];
	v13 =	vmul.f32 v10, v7;
	v10 =	vpop (erf)  }
0xb2: {  	v11 =	vld [tilespmem:s30+$0xC010];
	v2 =	vmul.f32 v10, v2;
	v10 =	vpop (erf)  }
0xb3: {  	v12 =	vld [tilespmem:s30+$0xC020];
	v5 =	vmul.f32 v10, v5;
	[tilespmem:s31+$0x14070] =	vst v13;
	v7 =	vpop (erf)  }
0xb4: {  	v10 =	vld [tilespmem:s30+$0xC030];
	[tilespmem:s31+$0x14000] =	vst v2;
	v2 =	vmul.f32 v7, v4;
	v4 =	vpop (erf)  }
0xb5: {  	v7 =	vld [tilespmem:s30+$0xC040];
	vm0 =	veq.f32 v9, $0.0e+00;
	[tilespmem:s31+$0x14010] =	vst v5;
	v3 =	vmul.f32 v4, v3;
	v4 =	vpop (erf)  }
0xb6: {  	vm1 =	veq.f32 v8, $0.0e+00;
	v13 =	vld [tilespmem:s30+$0xC050];
	v5 =	vsel vm0, $0x7F800000, v9;
	[tilespmem:s31+$0x14020] =	vst v2;
	v4 =	vmul.f32 v4, v6;
	v9 =	vpop (erf)  }
0xb7: {  	v6 =	vsel vm1, $0x7F800000, v8;
	vm0 =	veq.f32 v11, $0.0e+00;
	v8 =	vld [tilespmem:s30+$0xC060];
	(erf) = vrcp.f32 v5;
	[tilespmem:s31+$0x14030] =	vst v3;
	v14 =	vpop (erf)  }
0xb8: {  	v2 =	vld [tilespmem:s30+$0x4000];
	v3 =	vsel vm0, $0x7F800000, v11;
	vm0 =	veq.f32 v12, $0.0e+00;
	(erf) = vrcp.f32 v6;
	[tilespmem:s31+$0x14040] =	vst v4  }
0xb9: {  	v5 =	vld [tilespmem:s30+$0x4010];
	v6 =	vsel vm0, $0x7F800000, v12;
	vm0 =	veq.f32 v10, $0.0e+00;
	(erf) = vrcp.f32 v3  }
0xba: {  	v4 =	vld [tilespmem:s30+$0x4020];
	v10 =	vsel vm0, $0x7F800000, v10;
	vm0 =	veq.f32 v7, $0.0e+00;
	(erf) = vrcp.f32 v6  }
.Ltmp3:
0xbb: {  	v3 =	vld [tilespmem:s30+$0x4030];
	v6 =	vsel vm0, $0x7F800000, v7;
	vm0 =	veq.f32 v13, $0.0e+00;
	(erf) = vrcp.f32 v10;
	(pc) =	sbr.rel @p0 .LBB2_5-.Ltmp3, $4  }
0xbc: {  	v10 =	vsel vm0, $0x7F800000, v13;
	vm0 =	veq.f32 v8, $0.0e+00;
	v7 =	vld [tilespmem:s30+$0x4070];
	(erf) = vrcp.f32 v6  }
0xbd: {  	v9 =	vmul.f32 v9, v0;
	v6 =	vld [tilespmem:s30+$0x4040];
	v8 =	vsel vm0, $0x7F800000, v8;
	(erf) = vrcp.f32 v10  }
0xbe: {  	v0 =	vld [tilespmem:s30+$0x4050];
	(erf) = vrcp.f32 v8;
	v8 =	vmul.f32 v14, v1  }
0xbf: {  	s0 =	sshra.s32 s2, $0x2;
	s2 =	sadd.s32 $0x200, s2;
	v1 =	vld [tilespmem:s30+$0x4060];
	[tilespmem:s31+$0x14050] =	vst v9  }
0xc0: {  	v9 =	vld [tilespmem:s0+$0xC070];
	[tilespmem:s31+$0x14060] =	vst v8;
	v28 =	vpop (erf)  }
0xc1: {  	v10 =	vld [tilespmem:s0+$0xC000];
	v7 =	vmul.f32 v28, v7;
	v11 =	vpop (erf)  }
0xc2: {  	v29 =	vld [tilespmem:s0+$0xC010];
	v2 =	vmul.f32 v11, v2;
	v30 =	vpop (erf)  }
0xc3: {  	v12 =	vld [tilespmem:s0+$0xC020];
	[tilespmem:s30+$0x14070] =	vst v7;
	v5 =	vmul.f32 v30, v5;
	v32 =	vpop (erf)  }
0xc4: {  	v31 =	vld [tilespmem:s0+$0xC030];
	[tilespmem:s30+$0x14000] =	vst v2;
	v2 =	vmul.f32 v32, v4;
	v34 =	vpop (erf)  }
0xc5: {  	v33 =	vld [tilespmem:s0+$0xC040];
	[tilespmem:s30+$0x14010] =	vst v5;
	vm0 =	veq.f32 v9, $0.0e+00;
	v3 =	vmul.f32 v34, v3;
	v35 =	vpop (erf)  }
0xc6: {  	v5 =	vld [tilespmem:s0+$0xC050];
	[tilespmem:s30+$0x14020] =	vst v2;
	vm1 =	veq.f32 v10, $0.0e+00;
	v36 =	vsel vm0, $0x7F800000, v9;
	v4 =	vmul.f32 v35, v6  }
0xc7: {  	vm10 =	veq.f32 v29, $0.0e+00;
	v37 =	vld [tilespmem:s0+$0xC060];
	v38 =	vsel vm1, $0x7F800000, v10;
	(erf) = vrcp.f32 v36  }
0xc8: {  	vm11 =	veq.f32 v12, $0.0e+00;
	v40 =	vsel vm10, $0x7F800000, v29;
	(erf) = vrcp.f32 v38  }
0xc9: {  	[tilespmem:s30+$0x14030] =	vst v3;
	v41 =	vsel vm11, $0x7F800000, v12;
	vm12 =	veq.f32 v31, $0.0e+00;
	(erf) = vrcp.f32 v40  }
0xca: {  	v39 =	vld [tilespmem:s0+$0x4000];
	[tilespmem:s30+$0x14040] =	vst v4;
	v43 =	vsel vm12, $0x7F800000, v31;
	vm13 =	veq.f32 v33, $0.0e+00;
	(erf) = vrcp.f32 v41  }
0xcb: {  	v42 =	vld [tilespmem:s0+$0x4010];
	v7 =	vsel vm13, $0x7F800000, v33;
	vm14 =	veq.f32 v5, $0.0e+00;
	(erf) = vrcp.f32 v43  }
0xcc: {  	v45 =	vld [tilespmem:s0+$0x4070];
	v5 =	vsel vm14, $0x7F800000, v5;
	vm15 =	veq.f32 v37, $0.0e+00;
	(erf) = vrcp.f32 v7  }
0xcd: {  	v44 =	vld [tilespmem:s0+$0x4020];
	v6 =	vsel vm15, $0x7F800000, v37;
	(erf) = vrcp.f32 v5  }
0xce: {  	v47 =	vpop (erf);
	v46 =	vld [tilespmem:s0+$0x4030];
	(erf) = vrcp.f32 v6  }
0xcf: {  	v49 =	vpop (erf);
	v0 =	vmul.f32 v47, v0;
	v48 =	vld [tilespmem:s0+$0x4040]  }
0xd0: {  	v1 =	vmul.f32 v49, v1;
	v50 =	vld [tilespmem:s0+$0x4050];
	v52 =	vpop (erf)  }
0xd1: {  	v51 =	vld [tilespmem:s0+$0x4060];
	[tilespmem:s30+$0x14050] =	vst v0;
	v53 =	vmul.f32 v52, v45;
	v54 =	vpop (erf)  }
0xd2: {  	[tilespmem:s30+$0x14060] =	vst v1;
	v55 =	vmul.f32 v54, v39;
	v56 =	vpop (erf)  }
0xd3: {  	v2 =	vmul.f32 v56, v42;
	[tilespmem:s0+$0x14070] =	vst v53;
	v57 =	vpop (erf)  }
0xd4: {  	[tilespmem:s0+$0x14000] =	vst v55;
	v0 =	vmul.f32 v57, v44;
	v58 =	vpop (erf)  }
0xd5: {  	[tilespmem:s0+$0x14010] =	vst v2;
	v1 =	vmul.f32 v58, v46;
	v59 =	vpop (erf)  }
0xd6: {  	[tilespmem:s0+$0x14020] =	vst v0;
	v60 =	vmul.f32 v59, v48;
	v61 =	vpop (erf)  }
.Ltmp4:
0xd7: {  	[tilespmem:s0+$0x14030] =	vst v1;
	v62 =	vpop (erf);
	v2 =	vmul.f32 v61, v50;
	(pc) =	sbr.rel @p1 .LBB2_8-.Ltmp4, $4  }
0xd8: {  	[tilespmem:s0+$0x14040] =	vst v60;
	v63 =	vmul.f32 v62, v51  }
0xd9: {  	s2 =	sadd.s32 s29, s4;
	[tilespmem:s0+$0x14050] =	vst v2  }
0xda: {  	s31 =	sadd.s32 $0x800, s2;
	[tilespmem:s0+$0x14060] =	vst v63  }
0xdb: {  	[hbm4b:s31+s5] =	stream.linear.scatter [tilespmem:s22], [sflag:$0x6], $0x4000, $0x38;
	[tilespmem:$0x18000] =	vst v63  }
0xdc: {  	s0 =	sadd.s32 s28, s12  }
.Ltmp5:
0xdd: {  	s0 =	sshrl.u32 s0, $0x3;
	(pc) =	sbr.rel .LBB2_2-.Ltmp5, $4  }
0xde: {  	s2 =	sadd.s32 s1, s0  }
0xdf: {  	[tilespmem:s15], [sflag:$0x2] =	stream.linear.gather [hbm4b:s2+s5], $0x4000, $0x38;
	[tilespmem:$0x18000] =	vst v63  }
0xe0: {  	s26 =	sadd.s32 $0x1, s26;
	s0 =	sadd.s32 s3, s0  }
0xe1: {  	[tilespmem:s16], [sflag:$0x4] =	stream.linear.gather [hbm4b:s0+s5], $0x4000, $0x38;
	[tilespmem:$0x18000] =	vst v63  }
.LBB2_9:
0xe2: {  	_ =	sfence.sel $0x180000  }
0xe3: {  	[bflag:$0x0] =	sbarrier.arrive $0xFFFF  }
0xe4: {  	_ =	strace $0x90000047  }
0xe5: {  	s0 =	stileid.u32;
	[bflag:$0x2] =	sbarrier.arrive $0xFFFF  }
0xe6: {  	p0 =	sne.s32 s0, $0x0;
	s0 =	rddreg [dreg:$0x3]  }
0xe7: {  	s0 =	sadd.s32 @!p0 $0x100000, s0  }
0xe8: {  	[sflag:s0] =	ssyncadd.tile.s32 @!p0 $0x1;
	_ =	shalt  }
.Lfunc_end2:
_tile_overlayer_lowered:
.L_overlay_start_2:
0xe9: {  	(tag) =	ssettag $0x2  }
0xea: {  	s0 =	rddreg [dreg:$0x0];
	s2 =	stileid.u32  }
0xeb: {  	s1 =	rddreg [dreg:$0x1];
	p0 =	sne.s32 s2, $0x0  }
0xec: {  	s3 =	rddreg [dreg:$0x2];
	[bflag:$0x3] =	sbarrier.arrive $0xFFFF;
	s2 =	simm.s32 @!p0 $0x1C07  }
0xed: {  	[timem:s3], [sflag:s2] =	dma.local @!p0 [hbm:s0], s1  }
0xee: {  	s0 =	simm.s32 @!p0 $0x7  }
0xef: {  	_ =	swait.ge @!p0 [sflag:s0], s1  }
0xf0: {  	s1 =	ssub.s32 @!p0 $0x0, s1;
	[sflag:s0] =	ssyncset.done @!p0 $0x0  }
0xf1: {  	[sflag:s0] =	ssyncadd.s32 @!p0 s1  }
0xf2: {  	[bflag:$0x3] =	sbarrier.arrive $0xFFFF  }
0xf3: {  	_ =	shalt  }

</sc_bundles>
